<compile_context>
chip_gen: v7x
topology: tpu7x:2x2x1
jax: 0.10.2.dev20260603
libtpu: 0.0.44.dev20260713+nightly
codegen_flags: <defaults>
</compile_context>

<pallas_src>
import jax
import jax.numpy as jnp
from jax import lax
from jax.experimental import pallas as pl
from jax.experimental.pallas import tpu as pltpu
from jax.experimental.pallas import tpu_sc as plsc

B = 4096
H = 50
D = 64
DP = 128
NCLS = 1000
NW = 32
BPW = B // NW


def _sc_pool_body(ids_w, table, out, idsv, acc_a, acc_b, sem_a, sem_b):
    wid = lax.axis_index("s") * 2 + lax.axis_index("c")
    base = wid * BPW
    pltpu.sync_copy(ids_w.at[wid], idsv)
    PB = 2 * BPW
    cp_a = pltpu.async_copy(table.at[idsv.at[pl.ds(0, PB)]], acc_a, sem_a)
    cp_b = pltpu.async_copy(table.at[idsv.at[pl.ds(PB, PB)]], acc_b, sem_b)
    for p in range(2, H // 2, 2):
        cp_a.wait()
        cp_a = pltpu.async_copy(table.at[idsv.at[pl.ds(p * PB, PB)]], acc_a,
                                sem_a, add=True)
        if p + 1 < H // 2:
            cp_b.wait()
            cp_b = pltpu.async_copy(table.at[idsv.at[pl.ds((p + 1) * PB, PB)]],
                                    acc_b, sem_b, add=True)
    cp_a.wait()
    cp_b.wait()

    def merge(i, carry):
        r = i // (D // 16)
        c = (i % (D // 16)) * 16
        acc_a[r, pl.ds(c, 16)] = (
            acc_a[r, pl.ds(c, 16)] + acc_a[BPW + r, pl.ds(c, 16)]
            + acc_b[r, pl.ds(c, 16)] + acc_b[BPW + r, pl.ds(c, 16)])
        return carry

    lax.fori_loop(0, BPW * (D // 16), merge, 0)
    pltpu.sync_copy(acc_a.at[pl.ds(0, BPW)], out.at[pl.ds(base, BPW), :])


def _sc_pool(ids_w, table128):
    return pl.kernel(
        _sc_pool_body,
        out_type=jax.ShapeDtypeStruct((B, DP), jnp.float32),
        mesh=plsc.VectorSubcoreMesh(core_axis_name="c", subcore_axis_name="s"),
        scratch_types=[
            pltpu.VMEM((H * BPW,), jnp.int32),
            pltpu.VMEM((2 * BPW, DP), jnp.float32),
            pltpu.VMEM((2 * BPW, DP), jnp.float32),
            pltpu.SemaphoreType.DMA,
            pltpu.SemaphoreType.DMA,
        ],
    )(ids_w, table128)


def _tc_body(acc_ref, ids_t_ref, w_ref, b_ref, t0_ref, out_ref):
    acc = acc_ref[:, :D]
    ids_t = ids_t_ref[...]
    z = jnp.sum((ids_t == 0).astype(jnp.float32), axis=0, keepdims=True)
    w = w_ref[...]
    t0 = t0_ref[...]
    w0t = lax.dot_general(w, t0, (((1,), (1,)), ((), ())),
                          precision=lax.Precision.HIGHEST,
                          preferred_element_type=jnp.float32)
    yt = lax.dot_general(w, acc, (((1,), (1,)), ((), ())),
                         precision=lax.Precision.HIGHEST,
                         preferred_element_type=jnp.float32)
    out_ref[...] = yt + b_ref[...] - w0t * z


_TC_BLK = 512


def _tc_head(acc, ids_t, w_out, b_col, t0):
    return pl.pallas_call(
        _tc_body,
        grid=(B // _TC_BLK,),
        in_specs=[
            pl.BlockSpec((_TC_BLK, DP), lambda i: (i, 0)),
            pl.BlockSpec((H, _TC_BLK), lambda i: (0, i)),
            pl.BlockSpec((NCLS, D), lambda i: (0, 0)),
            pl.BlockSpec((NCLS, 1), lambda i: (0, 0)),
            pl.BlockSpec((1, D), lambda i: (0, 0)),
        ],
        out_specs=pl.BlockSpec((NCLS, _TC_BLK), lambda i: (0, i)),
        out_shape=jax.ShapeDtypeStruct((NCLS, B), jnp.float32),
    )(acc, ids_t, w_out, b_col, t0)


def kernel(words_as_ids, table, W_out, b_out):
    ids = words_as_ids.astype(jnp.int32)
    ids_t = ids.T
    ids_w = ids_t.reshape(H, NW, BPW).transpose(1, 0, 2).reshape(NW, H * BPW)
    table128 = jnp.pad(table, ((0, 0), (0, DP - D)))
    acc = _sc_pool(ids_w, table128)
    t0 = lax.slice(table, (0, 0), (1, D))
    b_col = b_out.reshape(NCLS, 1)
    out_t = _tc_head(acc, ids_t, W_out, b_col, t0)
    return out_t.T

# --- scband reference (transcript-rebuilt; emitter-appended) ---
"""Pipeline reference for scband-model-83227876262051 (READ-ONLY COPY).

The authoritative reference and input builder live on the scoring server;
editing this copy changes nothing except your own understanding.
"""

import jax, jax.numpy as jnp
import numpy as np

VOCAB = 1000000
EMB_DIM = 56 + 8  # embedding_size + num_hash_functions
NUM_CLASSES = 1000
BATCH = 4096
HIST = 50


def setup_inputs(seed: int = 0) -> dict:
    key = jax.random.key(seed)
    k1, k2, k3 = jax.random.split(key, 3)
    words_as_ids = jax.random.randint(k1, (BATCH, HIST), 0, VOCAB, dtype=jnp.int64 if jax.config.jax_enable_x64 else jnp.int32)
    table = jax.random.normal(k2, (VOCAB, EMB_DIM), dtype=jnp.float32) * 0.02
    W_out = jax.random.normal(k3, (NUM_CLASSES, EMB_DIM), dtype=jnp.float32) * 0.02
    b_out = jnp.zeros((NUM_CLASSES,), dtype=jnp.float32)
    return {"words_as_ids": words_as_ids, "table": table, "W_out": W_out, "b_out": b_out}


def reference(words_as_ids, table, W_out, b_out):
    # mask = unsqueeze(1 - (ids == 0), -1)
    mask = (1.0 - (words_as_ids == 0).astype(jnp.float32))[..., None]
    # embedding_model(words_as_ids) -> gather from table
    emb = jnp.take(table, words_as_ids, axis=0)  # [B, L, EMB_DIM]
    embedded = jnp.sum(emb * mask, axis=1)  # [B, EMB_DIM]
    # num_hidden_units == 0 branch: direct output layer
    final_output = embedded @ W_out.T + b_out  # [B, NUM_CLASSES]
    return final_output

if __name__ == "__main__":
    import jax
    _d = setup_inputs()
    print(jax.jit(kernel)(*tuple(_d.values())))

</pallas_src>

<mosaic_0001>
#map = affine_map<(d0, d1) -> (0, 0)>
module attributes {stable_mosaic.version = 14 : i64} {
  func.func @_sc_pool_body(%arg0: i32, %arg1: i32, %arg2: memref<32x6400xi32, #tpu.memory_space<hbm>>, %arg3: memref<1000000x128xf32, #tpu.memory_space<hbm>>, %arg4: memref<4096x128xf32, #tpu.memory_space<hbm>>, %arg5: memref<6400xi32, #tpu.memory_space<vmem>>, %arg6: memref<256x128xf32, #tpu.memory_space<vmem>>, %arg7: memref<256x128xf32, #tpu.memory_space<vmem>>, %arg8: memref<!tpu.dma_semaphore, #tpu.memory_space<semaphore_mem>>, %arg9: memref<!tpu.dma_semaphore, #tpu.memory_space<semaphore_mem>>) attributes {dimension_semantics = [#tpu.dimension_semantics<core_parallel>, #tpu.dimension_semantics<subcore_parallel>], iteration_bounds = array<i64: 2, 16>, scalar_prefetch = 0 : i64, scratch_operands = 5 : i64, tpu.core_type = #tpu.core_type<sc_vector_subcore>, window_params = [{transform_indices = #map}, {transform_indices = #map}, {transform_indices = #map}]} {
    %mul3A = arith.constant 2 : i32
    %mul3A_0 = arith.muli %arg1, %mul3A : i32
    %add3A = arith.addi %mul3A_0, %arg0 : i32
    %mul3A_1 = arith.constant 128 : i32
    %mul3A_2 = arith.muli %add3A, %mul3A_1 : i32
    "tpu.region"() ({
      %run_scoped3A = tpu.sem_alloc : memref<!tpu.dma_semaphore, #tpu.memory_space<semaphore_mem>>
      %dma_start3A_256 = arith.constant 0 : i32
      %dma_start3A_257 = tpu.memref_slice %arg2[%add3A, %dma_start3A_256] : memref<32x6400xi32, #tpu.memory_space<hbm>> -> memref<1x6400xi32, #tpu.memory_space<hbm>>
      %dma_start3A_258 = tpu.memref_squeeze %dma_start3A_257 : memref<1x6400xi32, #tpu.memory_space<hbm>> -> memref<6400xi32, #tpu.memory_space<hbm>>
      %dma_start3A_259 = arith.constant 0 : i32
      %dma_start3A_260 = tpu.memref_slice %arg2[%add3A, %dma_start3A_259] : memref<32x6400xi32, #tpu.memory_space<hbm>> -> memref<1x6400xi32, #tpu.memory_space<hbm>>
      %dma_start3A_261 = tpu.memref_squeeze %dma_start3A_260 : memref<1x6400xi32, #tpu.memory_space<hbm>> -> memref<6400xi32, #tpu.memory_space<hbm>>
      tpu.enqueue_dma source(%dma_start3A_261 : memref<6400xi32, #tpu.memory_space<hbm>>) target(%arg5 : memref<6400xi32, #tpu.memory_space<vmem>>) target_semaphore(%run_scoped3A : memref<!tpu.dma_semaphore, #tpu.memory_space<semaphore_mem>>)
      %dma_wait3A_262 = arith.constant 0 : i32
      %dma_wait3A_263 = tpu.memref_slice %arg2[%add3A, %dma_wait3A_262] : memref<32x6400xi32, #tpu.memory_space<hbm>> -> memref<1x6400xi32, #tpu.memory_space<hbm>>
      %dma_wait3A_264 = tpu.memref_squeeze %dma_wait3A_263 : memref<1x6400xi32, #tpu.memory_space<hbm>> -> memref<6400xi32, #tpu.memory_space<hbm>>
      %dma_wait3A_265 = arith.constant 0 : i32
      %dma_wait3A_266 = tpu.memref_slice %arg2[%add3A, %dma_wait3A_265] : memref<32x6400xi32, #tpu.memory_space<hbm>> -> memref<1x6400xi32, #tpu.memory_space<hbm>>
      %dma_wait3A_267 = tpu.memref_squeeze %dma_wait3A_266 : memref<1x6400xi32, #tpu.memory_space<hbm>> -> memref<6400xi32, #tpu.memory_space<hbm>>
      tpu.wait_dma2 semaphore(%run_scoped3A : memref<!tpu.dma_semaphore, #tpu.memory_space<semaphore_mem>>) src(%dma_wait3A_267 : memref<6400xi32, #tpu.memory_space<hbm>>) dst(%arg5 : memref<6400xi32, #tpu.memory_space<vmem>>)
      tpu.yield
    }) : () -> ()
    %dma_start3A = arith.constant 0 : i32
    %dma_start3A_3 = tpu.memref_slice %arg5[%dma_start3A] : memref<6400xi32, #tpu.memory_space<vmem>> -> memref<256xi32, #tpu.memory_space<vmem>>
    %dma_start3A_4 = arith.constant 0 : i32
    %dma_start3A_5 = arith.constant 0 : i32
    %dma_start3A_6 = tpu.memref_slice %arg3[%dma_start3A_4, %dma_start3A_5] : memref<1000000x128xf32, #tpu.memory_space<hbm>> -> memref<1000000x128xf32, #tpu.memory_space<hbm>>
    tpu.enqueue_indirect_dma source(%dma_start3A_6 : memref<1000000x128xf32, #tpu.memory_space<hbm>>) target(%arg6 : memref<256x128xf32, #tpu.memory_space<vmem>>) offsets(%dma_start3A_3 : memref<256xi32, #tpu.memory_space<vmem>>) semaphore(%arg8 : memref<!tpu.dma_semaphore, #tpu.memory_space<semaphore_mem>>)
    %dma_start3A_7 = arith.constant 256 : i32
    %dma_start3A_8 = tpu.memref_slice %arg5[%dma_start3A_7] : memref<6400xi32, #tpu.memory_space<vmem>> -> memref<256xi32, #tpu.memory_space<vmem>>
    %dma_start3A_9 = arith.constant 0 : i32
    %dma_start3A_10 = arith.constant 0 : i32
    %dma_start3A_11 = tpu.memref_slice %arg3[%dma_start3A_9, %dma_start3A_10] : memref<1000000x128xf32, #tpu.memory_space<hbm>> -> memref<1000000x128xf32, #tpu.memory_space<hbm>>
    tpu.enqueue_indirect_dma source(%dma_start3A_11 : memref<1000000x128xf32, #tpu.memory_space<hbm>>) target(%arg7 : memref<256x128xf32, #tpu.memory_space<vmem>>) offsets(%dma_start3A_8 : memref<256xi32, #tpu.memory_space<vmem>>) semaphore(%arg9 : memref<!tpu.dma_semaphore, #tpu.memory_space<semaphore_mem>>)
    %dma_wait3A = arith.constant 0 : i32
    %dma_wait3A_12 = tpu.memref_slice %arg5[%dma_wait3A] : memref<6400xi32, #tpu.memory_space<vmem>> -> memref<256xi32, #tpu.memory_space<vmem>>
    %dma_wait3A_13 = arith.constant 0 : i32
    %dma_wait3A_14 = arith.constant 0 : i32
    %dma_wait3A_15 = tpu.memref_slice %arg3[%dma_wait3A_13, %dma_wait3A_14] : memref<1000000x128xf32, #tpu.memory_space<hbm>> -> memref<1000000x128xf32, #tpu.memory_space<hbm>>
    tpu.wait_indirect_dma semaphore(%arg8 : memref<!tpu.dma_semaphore, #tpu.memory_space<semaphore_mem>>) src(%dma_wait3A_15 : memref<1000000x128xf32, #tpu.memory_space<hbm>>) dst(%arg6 : memref<256x128xf32, #tpu.memory_space<vmem>>)
    %dma_start3A_16 = arith.constant 512 : i32
    %dma_start3A_17 = tpu.memref_slice %arg5[%dma_start3A_16] : memref<6400xi32, #tpu.memory_space<vmem>> -> memref<256xi32, #tpu.memory_space<vmem>>
    %dma_start3A_18 = arith.constant 0 : i32
    %dma_start3A_19 = arith.constant 0 : i32
    %dma_start3A_20 = tpu.memref_slice %arg3[%dma_start3A_18, %dma_start3A_19] : memref<1000000x128xf32, #tpu.memory_space<hbm>> -> memref<1000000x128xf32, #tpu.memory_space<hbm>>
    tpu.enqueue_indirect_dma source(%dma_start3A_20 : memref<1000000x128xf32, #tpu.memory_space<hbm>>) target(%arg6 : memref<256x128xf32, #tpu.memory_space<vmem>>) offsets(%dma_start3A_17 : memref<256xi32, #tpu.memory_space<vmem>>) semaphore(%arg8 : memref<!tpu.dma_semaphore, #tpu.memory_space<semaphore_mem>>) {add = true}
    %dma_wait3A_21 = arith.constant 256 : i32
    %dma_wait3A_22 = tpu.memref_slice %arg5[%dma_wait3A_21] : memref<6400xi32, #tpu.memory_space<vmem>> -> memref<256xi32, #tpu.memory_space<vmem>>
    %dma_wait3A_23 = arith.constant 0 : i32
    %dma_wait3A_24 = arith.constant 0 : i32
    %dma_wait3A_25 = tpu.memref_slice %arg3[%dma_wait3A_23, %dma_wait3A_24] : memref<1000000x128xf32, #tpu.memory_space<hbm>> -> memref<1000000x128xf32, #tpu.memory_space<hbm>>
    tpu.wait_indirect_dma semaphore(%arg9 : memref<!tpu.dma_semaphore, #tpu.memory_space<semaphore_mem>>) src(%dma_wait3A_25 : memref<1000000x128xf32, #tpu.memory_space<hbm>>) dst(%arg7 : memref<256x128xf32, #tpu.memory_space<vmem>>)
    %dma_start3A_26 = arith.constant 768 : i32
    %dma_start3A_27 = tpu.memref_slice %arg5[%dma_start3A_26] : memref<6400xi32, #tpu.memory_space<vmem>> -> memref<256xi32, #tpu.memory_space<vmem>>
    %dma_start3A_28 = arith.constant 0 : i32
    %dma_start3A_29 = arith.constant 0 : i32
    %dma_start3A_30 = tpu.memref_slice %arg3[%dma_start3A_28, %dma_start3A_29] : memref<1000000x128xf32, #tpu.memory_space<hbm>> -> memref<1000000x128xf32, #tpu.memory_space<hbm>>
    tpu.enqueue_indirect_dma source(%dma_start3A_30 : memref<1000000x128xf32, #tpu.memory_space<hbm>>) target(%arg7 : memref<256x128xf32, #tpu.memory_space<vmem>>) offsets(%dma_start3A_27 : memref<256xi32, #tpu.memory_space<vmem>>) semaphore(%arg9 : memref<!tpu.dma_semaphore, #tpu.memory_space<semaphore_mem>>) {add = true}
    %dma_wait3A_31 = arith.constant 512 : i32
    %dma_wait3A_32 = tpu.memref_slice %arg5[%dma_wait3A_31] : memref<6400xi32, #tpu.memory_space<vmem>> -> memref<256xi32, #tpu.memory_space<vmem>>
    %dma_wait3A_33 = arith.constant 0 : i32
    %dma_wait3A_34 = arith.constant 0 : i32
    %dma_wait3A_35 = tpu.memref_slice %arg3[%dma_wait3A_33, %dma_wait3A_34] : memref<1000000x128xf32, #tpu.memory_space<hbm>> -> memref<1000000x128xf32, #tpu.memory_space<hbm>>
    tpu.wait_indirect_dma semaphore(%arg8 : memref<!tpu.dma_semaphore, #tpu.memory_space<semaphore_mem>>) src(%dma_wait3A_35 : memref<1000000x128xf32, #tpu.memory_space<hbm>>) dst(%arg6 : memref<256x128xf32, #tpu.memory_space<vmem>>)
    %dma_start3A_36 = arith.constant 1024 : i32
    %dma_start3A_37 = tpu.memref_slice %arg5[%dma_start3A_36] : memref<6400xi32, #tpu.memory_space<vmem>> -> memref<256xi32, #tpu.memory_space<vmem>>
    %dma_start3A_38 = arith.constant 0 : i32
    %dma_start3A_39 = arith.constant 0 : i32
    %dma_start3A_40 = tpu.memref_slice %arg3[%dma_start3A_38, %dma_start3A_39] : memref<1000000x128xf32, #tpu.memory_space<hbm>> -> memref<1000000x128xf32, #tpu.memory_space<hbm>>
    tpu.enqueue_indirect_dma source(%dma_start3A_40 : memref<1000000x128xf32, #tpu.memory_space<hbm>>) target(%arg6 : memref<256x128xf32, #tpu.memory_space<vmem>>) offsets(%dma_start3A_37 : memref<256xi32, #tpu.memory_space<vmem>>) semaphore(%arg8 : memref<!tpu.dma_semaphore, #tpu.memory_space<semaphore_mem>>) {add = true}
    %dma_wait3A_41 = arith.constant 768 : i32
    %dma_wait3A_42 = tpu.memref_slice %arg5[%dma_wait3A_41] : memref<6400xi32, #tpu.memory_space<vmem>> -> memref<256xi32, #tpu.memory_space<vmem>>
    %dma_wait3A_43 = arith.constant 0 : i32
    %dma_wait3A_44 = arith.constant 0 : i32
    %dma_wait3A_45 = tpu.memref_slice %arg3[%dma_wait3A_43, %dma_wait3A_44] : memref<1000000x128xf32, #tpu.memory_space<hbm>> -> memref<1000000x128xf32, #tpu.memory_space<hbm>>
    tpu.wait_indirect_dma semaphore(%arg9 : memref<!tpu.dma_semaphore, #tpu.memory_space<semaphore_mem>>) src(%dma_wait3A_45 : memref<1000000x128xf32, #tpu.memory_space<hbm>>) dst(%arg7 : memref<256x128xf32, #tpu.memory_space<vmem>>)
    %dma_start3A_46 = arith.constant 1280 : i32
    %dma_start3A_47 = tpu.memref_slice %arg5[%dma_start3A_46] : memref<6400xi32, #tpu.memory_space<vmem>> -> memref<256xi32, #tpu.memory_space<vmem>>
    %dma_start3A_48 = arith.constant 0 : i32
    %dma_start3A_49 = arith.constant 0 : i32
    %dma_start3A_50 = tpu.memref_slice %arg3[%dma_start3A_48, %dma_start3A_49] : memref<1000000x128xf32, #tpu.memory_space<hbm>> -> memref<1000000x128xf32, #tpu.memory_space<hbm>>
    tpu.enqueue_indirect_dma source(%dma_start3A_50 : memref<1000000x128xf32, #tpu.memory_space<hbm>>) target(%arg7 : memref<256x128xf32, #tpu.memory_space<vmem>>) offsets(%dma_start3A_47 : memref<256xi32, #tpu.memory_space<vmem>>) semaphore(%arg9 : memref<!tpu.dma_semaphore, #tpu.memory_space<semaphore_mem>>) {add = true}
    %dma_wait3A_51 = arith.constant 1024 : i32
    %dma_wait3A_52 = tpu.memref_slice %arg5[%dma_wait3A_51] : memref<6400xi32, #tpu.memory_space<vmem>> -> memref<256xi32, #tpu.memory_space<vmem>>
    %dma_wait3A_53 = arith.constant 0 : i32
    %dma_wait3A_54 = arith.constant 0 : i32
    %dma_wait3A_55 = tpu.memref_slice %arg3[%dma_wait3A_53, %dma_wait3A_54] : memref<1000000x128xf32, #tpu.memory_space<hbm>> -> memref<1000000x128xf32, #tpu.memory_space<hbm>>
    tpu.wait_indirect_dma semaphore(%arg8 : memref<!tpu.dma_semaphore, #tpu.memory_space<semaphore_mem>>) src(%dma_wait3A_55 : memref<1000000x128xf32, #tpu.memory_space<hbm>>) dst(%arg6 : memref<256x128xf32, #tpu.memory_space<vmem>>)
    %dma_start3A_56 = arith.constant 1536 : i32
    %dma_start3A_57 = tpu.memref_slice %arg5[%dma_start3A_56] : memref<6400xi32, #tpu.memory_space<vmem>> -> memref<256xi32, #tpu.memory_space<vmem>>
    %dma_start3A_58 = arith.constant 0 : i32
    %dma_start3A_59 = arith.constant 0 : i32
    %dma_start3A_60 = tpu.memref_slice %arg3[%dma_start3A_58, %dma_start3A_59] : memref<1000000x128xf32, #tpu.memory_space<hbm>> -> memref<1000000x128xf32, #tpu.memory_space<hbm>>
    tpu.enqueue_indirect_dma source(%dma_start3A_60 : memref<1000000x128xf32, #tpu.memory_space<hbm>>) target(%arg6 : memref<256x128xf32, #tpu.memory_space<vmem>>) offsets(%dma_start3A_57 : memref<256xi32, #tpu.memory_space<vmem>>) semaphore(%arg8 : memref<!tpu.dma_semaphore, #tpu.memory_space<semaphore_mem>>) {add = true}
    %dma_wait3A_61 = arith.constant 1280 : i32
    %dma_wait3A_62 = tpu.memref_slice %arg5[%dma_wait3A_61] : memref<6400xi32, #tpu.memory_space<vmem>> -> memref<256xi32, #tpu.memory_space<vmem>>
    %dma_wait3A_63 = arith.constant 0 : i32
    %dma_wait3A_64 = arith.constant 0 : i32
    %dma_wait3A_65 = tpu.memref_slice %arg3[%dma_wait3A_63, %dma_wait3A_64] : memref<1000000x128xf32, #tpu.memory_space<hbm>> -> memref<1000000x128xf32, #tpu.memory_space<hbm>>
    tpu.wait_indirect_dma semaphore(%arg9 : memref<!tpu.dma_semaphore, #tpu.memory_space<semaphore_mem>>) src(%dma_wait3A_65 : memref<1000000x128xf32, #tpu.memory_space<hbm>>) dst(%arg7 : memref<256x128xf32, #tpu.memory_space<vmem>>)
    %dma_start3A_66 = arith.constant 1792 : i32
    %dma_start3A_67 = tpu.memref_slice %arg5[%dma_start3A_66] : memref<6400xi32, #tpu.memory_space<vmem>> -> memref<256xi32, #tpu.memory_space<vmem>>
    %dma_start3A_68 = arith.constant 0 : i32
    %dma_start3A_69 = arith.constant 0 : i32
    %dma_start3A_70 = tpu.memref_slice %arg3[%dma_start3A_68, %dma_start3A_69] : memref<1000000x128xf32, #tpu.memory_space<hbm>> -> memref<1000000x128xf32, #tpu.memory_space<hbm>>
    tpu.enqueue_indirect_dma source(%dma_start3A_70 : memref<1000000x128xf32, #tpu.memory_space<hbm>>) target(%arg7 : memref<256x128xf32, #tpu.memory_space<vmem>>) offsets(%dma_start3A_67 : memref<256xi32, #tpu.memory_space<vmem>>) semaphore(%arg9 : memref<!tpu.dma_semaphore, #tpu.memory_space<semaphore_mem>>) {add = true}
    %dma_wait3A_71 = arith.constant 1536 : i32
    %dma_wait3A_72 = tpu.memref_slice %arg5[%dma_wait3A_71] : memref<6400xi32, #tpu.memory_space<vmem>> -> memref<256xi32, #tpu.memory_space<vmem>>
    %dma_wait3A_73 = arith.constant 0 : i32
    %dma_wait3A_74 = arith.constant 0 : i32
    %dma_wait3A_75 = tpu.memref_slice %arg3[%dma_wait3A_73, %dma_wait3A_74] : memref<1000000x128xf32, #tpu.memory_space<hbm>> -> memref<1000000x128xf32, #tpu.memory_space<hbm>>
    tpu.wait_indirect_dma semaphore(%arg8 : memref<!tpu.dma_semaphore, #tpu.memory_space<semaphore_mem>>) src(%dma_wait3A_75 : memref<1000000x128xf32, #tpu.memory_space<hbm>>) dst(%arg6 : memref<256x128xf32, #tpu.memory_space<vmem>>)
    %dma_start3A_76 = arith.constant 2048 : i32
    %dma_start3A_77 = tpu.memref_slice %arg5[%dma_start3A_76] : memref<6400xi32, #tpu.memory_space<vmem>> -> memref<256xi32, #tpu.memory_space<vmem>>
    %dma_start3A_78 = arith.constant 0 : i32
    %dma_start3A_79 = arith.constant 0 : i32
    %dma_start3A_80 = tpu.memref_slice %arg3[%dma_start3A_78, %dma_start3A_79] : memref<1000000x128xf32, #tpu.memory_space<hbm>> -> memref<1000000x128xf32, #tpu.memory_space<hbm>>
    tpu.enqueue_indirect_dma source(%dma_start3A_80 : memref<1000000x128xf32, #tpu.memory_space<hbm>>) target(%arg6 : memref<256x128xf32, #tpu.memory_space<vmem>>) offsets(%dma_start3A_77 : memref<256xi32, #tpu.memory_space<vmem>>) semaphore(%arg8 : memref<!tpu.dma_semaphore, #tpu.memory_space<semaphore_mem>>) {add = true}
    %dma_wait3A_81 = arith.constant 1792 : i32
    %dma_wait3A_82 = tpu.memref_slice %arg5[%dma_wait3A_81] : memref<6400xi32, #tpu.memory_space<vmem>> -> memref<256xi32, #tpu.memory_space<vmem>>
    %dma_wait3A_83 = arith.constant 0 : i32
    %dma_wait3A_84 = arith.constant 0 : i32
    %dma_wait3A_85 = tpu.memref_slice %arg3[%dma_wait3A_83, %dma_wait3A_84] : memref<1000000x128xf32, #tpu.memory_space<hbm>> -> memref<1000000x128xf32, #tpu.memory_space<hbm>>
    tpu.wait_indirect_dma semaphore(%arg9 : memref<!tpu.dma_semaphore, #tpu.memory_space<semaphore_mem>>) src(%dma_wait3A_85 : memref<1000000x128xf32, #tpu.memory_space<hbm>>) dst(%arg7 : memref<256x128xf32, #tpu.memory_space<vmem>>)
    %dma_start3A_86 = arith.constant 2304 : i32
    %dma_start3A_87 = tpu.memref_slice %arg5[%dma_start3A_86] : memref<6400xi32, #tpu.memory_space<vmem>> -> memref<256xi32, #tpu.memory_space<vmem>>
    %dma_start3A_88 = arith.constant 0 : i32
    %dma_start3A_89 = arith.constant 0 : i32
    %dma_start3A_90 = tpu.memref_slice %arg3[%dma_start3A_88, %dma_start3A_89] : memref<1000000x128xf32, #tpu.memory_space<hbm>> -> memref<1000000x128xf32, #tpu.memory_space<hbm>>
    tpu.enqueue_indirect_dma source(%dma_start3A_90 : memref<1000000x128xf32, #tpu.memory_space<hbm>>) target(%arg7 : memref<256x128xf32, #tpu.memory_space<vmem>>) offsets(%dma_start3A_87 : memref<256xi32, #tpu.memory_space<vmem>>) semaphore(%arg9 : memref<!tpu.dma_semaphore, #tpu.memory_space<semaphore_mem>>) {add = true}
    %dma_wait3A_91 = arith.constant 2048 : i32
    %dma_wait3A_92 = tpu.memref_slice %arg5[%dma_wait3A_91] : memref<6400xi32, #tpu.memory_space<vmem>> -> memref<256xi32, #tpu.memory_space<vmem>>
    %dma_wait3A_93 = arith.constant 0 : i32
    %dma_wait3A_94 = arith.constant 0 : i32
    %dma_wait3A_95 = tpu.memref_slice %arg3[%dma_wait3A_93, %dma_wait3A_94] : memref<1000000x128xf32, #tpu.memory_space<hbm>> -> memref<1000000x128xf32, #tpu.memory_space<hbm>>
    tpu.wait_indirect_dma semaphore(%arg8 : memref<!tpu.dma_semaphore, #tpu.memory_space<semaphore_mem>>) src(%dma_wait3A_95 : memref<1000000x128xf32, #tpu.memory_space<hbm>>) dst(%arg6 : memref<256x128xf32, #tpu.memory_space<vmem>>)
    %dma_start3A_96 = arith.constant 2560 : i32
    %dma_start3A_97 = tpu.memref_slice %arg5[%dma_start3A_96] : memref<6400xi32, #tpu.memory_space<vmem>> -> memref<256xi32, #tpu.memory_space<vmem>>
    %dma_start3A_98 = arith.constant 0 : i32
    %dma_start3A_99 = arith.constant 0 : i32
    %dma_start3A_100 = tpu.memref_slice %arg3[%dma_start3A_98, %dma_start3A_99] : memref<1000000x128xf32, #tpu.memory_space<hbm>> -> memref<1000000x128xf32, #tpu.memory_space<hbm>>
    tpu.enqueue_indirect_dma source(%dma_start3A_100 : memref<1000000x128xf32, #tpu.memory_space<hbm>>) target(%arg6 : memref<256x128xf32, #tpu.memory_space<vmem>>) offsets(%dma_start3A_97 : memref<256xi32, #tpu.memory_space<vmem>>) semaphore(%arg8 : memref<!tpu.dma_semaphore, #tpu.memory_space<semaphore_mem>>) {add = true}
    %dma_wait3A_101 = arith.constant 2304 : i32
    %dma_wait3A_102 = tpu.memref_slice %arg5[%dma_wait3A_101] : memref<6400xi32, #tpu.memory_space<vmem>> -> memref<256xi32, #tpu.memory_space<vmem>>
    %dma_wait3A_103 = arith.constant 0 : i32
    %dma_wait3A_104 = arith.constant 0 : i32
    %dma_wait3A_105 = tpu.memref_slice %arg3[%dma_wait3A_103, %dma_wait3A_104] : memref<1000000x128xf32, #tpu.memory_space<hbm>> -> memref<1000000x128xf32, #tpu.memory_space<hbm>>
    tpu.wait_indirect_dma semaphore(%arg9 : memref<!tpu.dma_semaphore, #tpu.memory_space<semaphore_mem>>) src(%dma_wait3A_105 : memref<1000000x128xf32, #tpu.memory_space<hbm>>) dst(%arg7 : memref<256x128xf32, #tpu.memory_space<vmem>>)
    %dma_start3A_106 = arith.constant 2816 : i32
    %dma_start3A_107 = tpu.memref_slice %arg5[%dma_start3A_106] : memref<6400xi32, #tpu.memory_space<vmem>> -> memref<256xi32, #tpu.memory_space<vmem>>
    %dma_start3A_108 = arith.constant 0 : i32
    %dma_start3A_109 = arith.constant 0 : i32
    %dma_start3A_110 = tpu.memref_slice %arg3[%dma_start3A_108, %dma_start3A_109] : memref<1000000x128xf32, #tpu.memory_space<hbm>> -> memref<1000000x128xf32, #tpu.memory_space<hbm>>
    tpu.enqueue_indirect_dma source(%dma_start3A_110 : memref<1000000x128xf32, #tpu.memory_space<hbm>>) target(%arg7 : memref<256x128xf32, #tpu.memory_space<vmem>>) offsets(%dma_start3A_107 : memref<256xi32, #tpu.memory_space<vmem>>) semaphore(%arg9 : memref<!tpu.dma_semaphore, #tpu.memory_space<semaphore_mem>>) {add = true}
    %dma_wait3A_111 = arith.constant 2560 : i32
    %dma_wait3A_112 = tpu.memref_slice %arg5[%dma_wait3A_111] : memref<6400xi32, #tpu.memory_space<vmem>> -> memref<256xi32, #tpu.memory_space<vmem>>
    %dma_wait3A_113 = arith.constant 0 : i32
    %dma_wait3A_114 = arith.constant 0 : i32
    %dma_wait3A_115 = tpu.memref_slice %arg3[%dma_wait3A_113, %dma_wait3A_114] : memref<1000000x128xf32, #tpu.memory_space<hbm>> -> memref<1000000x128xf32, #tpu.memory_space<hbm>>
    tpu.wait_indirect_dma semaphore(%arg8 : memref<!tpu.dma_semaphore, #tpu.memory_space<semaphore_mem>>) src(%dma_wait3A_115 : memref<1000000x128xf32, #tpu.memory_space<hbm>>) dst(%arg6 : memref<256x128xf32, #tpu.memory_space<vmem>>)
    %dma_start3A_116 = arith.constant 3072 : i32
    %dma_start3A_117 = tpu.memref_slice %arg5[%dma_start3A_116] : memref<6400xi32, #tpu.memory_space<vmem>> -> memref<256xi32, #tpu.memory_space<vmem>>
    %dma_start3A_118 = arith.constant 0 : i32
    %dma_start3A_119 = arith.constant 0 : i32
    %dma_start3A_120 = tpu.memref_slice %arg3[%dma_start3A_118, %dma_start3A_119] : memref<1000000x128xf32, #tpu.memory_space<hbm>> -> memref<1000000x128xf32, #tpu.memory_space<hbm>>
    tpu.enqueue_indirect_dma source(%dma_start3A_120 : memref<1000000x128xf32, #tpu.memory_space<hbm>>) target(%arg6 : memref<256x128xf32, #tpu.memory_space<vmem>>) offsets(%dma_start3A_117 : memref<256xi32, #tpu.memory_space<vmem>>) semaphore(%arg8 : memref<!tpu.dma_semaphore, #tpu.memory_space<semaphore_mem>>) {add = true}
    %dma_wait3A_121 = arith.constant 2816 : i32
    %dma_wait3A_122 = tpu.memref_slice %arg5[%dma_wait3A_121] : memref<6400xi32, #tpu.memory_space<vmem>> -> memref<256xi32, #tpu.memory_space<vmem>>
    %dma_wait3A_123 = arith.constant 0 : i32
    %dma_wait3A_124 = arith.constant 0 : i32
    %dma_wait3A_125 = tpu.memref_slice %arg3[%dma_wait3A_123, %dma_wait3A_124] : memref<1000000x128xf32, #tpu.memory_space<hbm>> -> memref<1000000x128xf32, #tpu.memory_space<hbm>>
    tpu.wait_indirect_dma semaphore(%arg9 : memref<!tpu.dma_semaphore, #tpu.memory_space<semaphore_mem>>) src(%dma_wait3A_125 : memref<1000000x128xf32, #tpu.memory_space<hbm>>) dst(%arg7 : memref<256x128xf32, #tpu.memory_space<vmem>>)
    %dma_start3A_126 = arith.constant 3328 : i32
    %dma_start3A_127 = tpu.memref_slice %arg5[%dma_start3A_126] : memref<6400xi32, #tpu.memory_space<vmem>> -> memref<256xi32, #tpu.memory_space<vmem>>
    %dma_start3A_128 = arith.constant 0 : i32
    %dma_start3A_129 = arith.constant 0 : i32
    %dma_start3A_130 = tpu.memref_slice %arg3[%dma_start3A_128, %dma_start3A_129] : memref<1000000x128xf32, #tpu.memory_space<hbm>> -> memref<1000000x128xf32, #tpu.memory_space<hbm>>
    tpu.enqueue_indirect_dma source(%dma_start3A_130 : memref<1000000x128xf32, #tpu.memory_space<hbm>>) target(%arg7 : memref<256x128xf32, #tpu.memory_space<vmem>>) offsets(%dma_start3A_127 : memref<256xi32, #tpu.memory_space<vmem>>) semaphore(%arg9 : memref<!tpu.dma_semaphore, #tpu.memory_space<semaphore_mem>>) {add = true}
    %dma_wait3A_131 = arith.constant 3072 : i32
    %dma_wait3A_132 = tpu.memref_slice %arg5[%dma_wait3A_131] : memref<6400xi32, #tpu.memory_space<vmem>> -> memref<256xi32, #tpu.memory_space<vmem>>
    %dma_wait3A_133 = arith.constant 0 : i32
    %dma_wait3A_134 = arith.constant 0 : i32
    %dma_wait3A_135 = tpu.memref_slice %arg3[%dma_wait3A_133, %dma_wait3A_134] : memref<1000000x128xf32, #tpu.memory_space<hbm>> -> memref<1000000x128xf32, #tpu.memory_space<hbm>>
    tpu.wait_indirect_dma semaphore(%arg8 : memref<!tpu.dma_semaphore, #tpu.memory_space<semaphore_mem>>) src(%dma_wait3A_135 : memref<1000000x128xf32, #tpu.memory_space<hbm>>) dst(%arg6 : memref<256x128xf32, #tpu.memory_space<vmem>>)
    %dma_start3A_136 = arith.constant 3584 : i32
    %dma_start3A_137 = tpu.memref_slice %arg5[%dma_start3A_136] : memref<6400xi32, #tpu.memory_space<vmem>> -> memref<256xi32, #tpu.memory_space<vmem>>
    %dma_start3A_138 = arith.constant 0 : i32
    %dma_start3A_139 = arith.constant 0 : i32
    %dma_start3A_140 = tpu.memref_slice %arg3[%dma_start3A_138, %dma_start3A_139] : memref<1000000x128xf32, #tpu.memory_space<hbm>> -> memref<1000000x128xf32, #tpu.memory_space<hbm>>
    tpu.enqueue_indirect_dma source(%dma_start3A_140 : memref<1000000x128xf32, #tpu.memory_space<hbm>>) target(%arg6 : memref<256x128xf32, #tpu.memory_space<vmem>>) offsets(%dma_start3A_137 : memref<256xi32, #tpu.memory_space<vmem>>) semaphore(%arg8 : memref<!tpu.dma_semaphore, #tpu.memory_space<semaphore_mem>>) {add = true}
    %dma_wait3A_141 = arith.constant 3328 : i32
    %dma_wait3A_142 = tpu.memref_slice %arg5[%dma_wait3A_141] : memref<6400xi32, #tpu.memory_space<vmem>> -> memref<256xi32, #tpu.memory_space<vmem>>
    %dma_wait3A_143 = arith.constant 0 : i32
    %dma_wait3A_144 = arith.constant 0 : i32
    %dma_wait3A_145 = tpu.memref_slice %arg3[%dma_wait3A_143, %dma_wait3A_144] : memref<1000000x128xf32, #tpu.memory_space<hbm>> -> memref<1000000x128xf32, #tpu.memory_space<hbm>>
    tpu.wait_indirect_dma semaphore(%arg9 : memref<!tpu.dma_semaphore, #tpu.memory_space<semaphore_mem>>) src(%dma_wait3A_145 : memref<1000000x128xf32, #tpu.memory_space<hbm>>) dst(%arg7 : memref<256x128xf32, #tpu.memory_space<vmem>>)
    %dma_start3A_146 = arith.constant 3840 : i32
    %dma_start3A_147 = tpu.memref_slice %arg5[%dma_start3A_146] : memref<6400xi32, #tpu.memory_space<vmem>> -> memref<256xi32, #tpu.memory_space<vmem>>
    %dma_start3A_148 = arith.constant 0 : i32
    %dma_start3A_149 = arith.constant 0 : i32
    %dma_start3A_150 = tpu.memref_slice %arg3[%dma_start3A_148, %dma_start3A_149] : memref<1000000x128xf32, #tpu.memory_space<hbm>> -> memref<1000000x128xf32, #tpu.memory_space<hbm>>
    tpu.enqueue_indirect_dma source(%dma_start3A_150 : memref<1000000x128xf32, #tpu.memory_space<hbm>>) target(%arg7 : memref<256x128xf32, #tpu.memory_space<vmem>>) offsets(%dma_start3A_147 : memref<256xi32, #tpu.memory_space<vmem>>) semaphore(%arg9 : memref<!tpu.dma_semaphore, #tpu.memory_space<semaphore_mem>>) {add = true}
    %dma_wait3A_151 = arith.constant 3584 : i32
    %dma_wait3A_152 = tpu.memref_slice %arg5[%dma_wait3A_151] : memref<6400xi32, #tpu.memory_space<vmem>> -> memref<256xi32, #tpu.memory_space<vmem>>
    %dma_wait3A_153 = arith.constant 0 : i32
    %dma_wait3A_154 = arith.constant 0 : i32
    %dma_wait3A_155 = tpu.memref_slice %arg3[%dma_wait3A_153, %dma_wait3A_154] : memref<1000000x128xf32, #tpu.memory_space<hbm>> -> memref<1000000x128xf32, #tpu.memory_space<hbm>>
    tpu.wait_indirect_dma semaphore(%arg8 : memref<!tpu.dma_semaphore, #tpu.memory_space<semaphore_mem>>) src(%dma_wait3A_155 : memref<1000000x128xf32, #tpu.memory_space<hbm>>) dst(%arg6 : memref<256x128xf32, #tpu.memory_space<vmem>>)
    %dma_start3A_156 = arith.constant 4096 : i32
    %dma_start3A_157 = tpu.memref_slice %arg5[%dma_start3A_156] : memref<6400xi32, #tpu.memory_space<vmem>> -> memref<256xi32, #tpu.memory_space<vmem>>
    %dma_start3A_158 = arith.constant 0 : i32
    %dma_start3A_159 = arith.constant 0 : i32
    %dma_start3A_160 = tpu.memref_slice %arg3[%dma_start3A_158, %dma_start3A_159] : memref<1000000x128xf32, #tpu.memory_space<hbm>> -> memref<1000000x128xf32, #tpu.memory_space<hbm>>
    tpu.enqueue_indirect_dma source(%dma_start3A_160 : memref<1000000x128xf32, #tpu.memory_space<hbm>>) target(%arg6 : memref<256x128xf32, #tpu.memory_space<vmem>>) offsets(%dma_start3A_157 : memref<256xi32, #tpu.memory_space<vmem>>) semaphore(%arg8 : memref<!tpu.dma_semaphore, #tpu.memory_space<semaphore_mem>>) {add = true}
    %dma_wait3A_161 = arith.constant 3840 : i32
    %dma_wait3A_162 = tpu.memref_slice %arg5[%dma_wait3A_161] : memref<6400xi32, #tpu.memory_space<vmem>> -> memref<256xi32, #tpu.memory_space<vmem>>
    %dma_wait3A_163 = arith.constant 0 : i32
    %dma_wait3A_164 = arith.constant 0 : i32
    %dma_wait3A_165 = tpu.memref_slice %arg3[%dma_wait3A_163, %dma_wait3A_164] : memref<1000000x128xf32, #tpu.memory_space<hbm>> -> memref<1000000x128xf32, #tpu.memory_space<hbm>>
    tpu.wait_indirect_dma semaphore(%arg9 : memref<!tpu.dma_semaphore, #tpu.memory_space<semaphore_mem>>) src(%dma_wait3A_165 : memref<1000000x128xf32, #tpu.memory_space<hbm>>) dst(%arg7 : memref<256x128xf32, #tpu.memory_space<vmem>>)
    %dma_start3A_166 = arith.constant 4352 : i32
    %dma_start3A_167 = tpu.memref_slice %arg5[%dma_start3A_166] : memref<6400xi32, #tpu.memory_space<vmem>> -> memref<256xi32, #tpu.memory_space<vmem>>
    %dma_start3A_168 = arith.constant 0 : i32
    %dma_start3A_169 = arith.constant 0 : i32
    %dma_start3A_170 = tpu.memref_slice %arg3[%dma_start3A_168, %dma_start3A_169] : memref<1000000x128xf32, #tpu.memory_space<hbm>> -> memref<1000000x128xf32, #tpu.memory_space<hbm>>
    tpu.enqueue_indirect_dma source(%dma_start3A_170 : memref<1000000x128xf32, #tpu.memory_space<hbm>>) target(%arg7 : memref<256x128xf32, #tpu.memory_space<vmem>>) offsets(%dma_start3A_167 : memref<256xi32, #tpu.memory_space<vmem>>) semaphore(%arg9 : memref<!tpu.dma_semaphore, #tpu.memory_space<semaphore_mem>>) {add = true}
    %dma_wait3A_171 = arith.constant 4096 : i32
    %dma_wait3A_172 = tpu.memref_slice %arg5[%dma_wait3A_171] : memref<6400xi32, #tpu.memory_space<vmem>> -> memref<256xi32, #tpu.memory_space<vmem>>
    %dma_wait3A_173 = arith.constant 0 : i32
    %dma_wait3A_174 = arith.constant 0 : i32
    %dma_wait3A_175 = tpu.memref_slice %arg3[%dma_wait3A_173, %dma_wait3A_174] : memref<1000000x128xf32, #tpu.memory_space<hbm>> -> memref<1000000x128xf32, #tpu.memory_space<hbm>>
    tpu.wait_indirect_dma semaphore(%arg8 : memref<!tpu.dma_semaphore, #tpu.memory_space<semaphore_mem>>) src(%dma_wait3A_175 : memref<1000000x128xf32, #tpu.memory_space<hbm>>) dst(%arg6 : memref<256x128xf32, #tpu.memory_space<vmem>>)
    %dma_start3A_176 = arith.constant 4608 : i32
    %dma_start3A_177 = tpu.memref_slice %arg5[%dma_start3A_176] : memref<6400xi32, #tpu.memory_space<vmem>> -> memref<256xi32, #tpu.memory_space<vmem>>
    %dma_start3A_178 = arith.constant 0 : i32
    %dma_start3A_179 = arith.constant 0 : i32
    %dma_start3A_180 = tpu.memref_slice %arg3[%dma_start3A_178, %dma_start3A_179] : memref<1000000x128xf32, #tpu.memory_space<hbm>> -> memref<1000000x128xf32, #tpu.memory_space<hbm>>
    tpu.enqueue_indirect_dma source(%dma_start3A_180 : memref<1000000x128xf32, #tpu.memory_space<hbm>>) target(%arg6 : memref<256x128xf32, #tpu.memory_space<vmem>>) offsets(%dma_start3A_177 : memref<256xi32, #tpu.memory_space<vmem>>) semaphore(%arg8 : memref<!tpu.dma_semaphore, #tpu.memory_space<semaphore_mem>>) {add = true}
    %dma_wait3A_181 = arith.constant 4352 : i32
    %dma_wait3A_182 = tpu.memref_slice %arg5[%dma_wait3A_181] : memref<6400xi32, #tpu.memory_space<vmem>> -> memref<256xi32, #tpu.memory_space<vmem>>
    %dma_wait3A_183 = arith.constant 0 : i32
    %dma_wait3A_184 = arith.constant 0 : i32
    %dma_wait3A_185 = tpu.memref_slice %arg3[%dma_wait3A_183, %dma_wait3A_184] : memref<1000000x128xf32, #tpu.memory_space<hbm>> -> memref<1000000x128xf32, #tpu.memory_space<hbm>>
    tpu.wait_indirect_dma semaphore(%arg9 : memref<!tpu.dma_semaphore, #tpu.memory_space<semaphore_mem>>) src(%dma_wait3A_185 : memref<1000000x128xf32, #tpu.memory_space<hbm>>) dst(%arg7 : memref<256x128xf32, #tpu.memory_space<vmem>>)
    %dma_start3A_186 = arith.constant 4864 : i32
    %dma_start3A_187 = tpu.memref_slice %arg5[%dma_start3A_186] : memref<6400xi32, #tpu.memory_space<vmem>> -> memref<256xi32, #tpu.memory_space<vmem>>
    %dma_start3A_188 = arith.constant 0 : i32
    %dma_start3A_189 = arith.constant 0 : i32
    %dma_start3A_190 = tpu.memref_slice %arg3[%dma_start3A_188, %dma_start3A_189] : memref<1000000x128xf32, #tpu.memory_space<hbm>> -> memref<1000000x128xf32, #tpu.memory_space<hbm>>
    tpu.enqueue_indirect_dma source(%dma_start3A_190 : memref<1000000x128xf32, #tpu.memory_space<hbm>>) target(%arg7 : memref<256x128xf32, #tpu.memory_space<vmem>>) offsets(%dma_start3A_187 : memref<256xi32, #tpu.memory_space<vmem>>) semaphore(%arg9 : memref<!tpu.dma_semaphore, #tpu.memory_space<semaphore_mem>>) {add = true}
    %dma_wait3A_191 = arith.constant 4608 : i32
    %dma_wait3A_192 = tpu.memref_slice %arg5[%dma_wait3A_191] : memref<6400xi32, #tpu.memory_space<vmem>> -> memref<256xi32, #tpu.memory_space<vmem>>
    %dma_wait3A_193 = arith.constant 0 : i32
    %dma_wait3A_194 = arith.constant 0 : i32
    %dma_wait3A_195 = tpu.memref_slice %arg3[%dma_wait3A_193, %dma_wait3A_194] : memref<1000000x128xf32, #tpu.memory_space<hbm>> -> memref<1000000x128xf32, #tpu.memory_space<hbm>>
    tpu.wait_indirect_dma semaphore(%arg8 : memref<!tpu.dma_semaphore, #tpu.memory_space<semaphore_mem>>) src(%dma_wait3A_195 : memref<1000000x128xf32, #tpu.memory_space<hbm>>) dst(%arg6 : memref<256x128xf32, #tpu.memory_space<vmem>>)
    %dma_start3A_196 = arith.constant 5120 : i32
    %dma_start3A_197 = tpu.memref_slice %arg5[%dma_start3A_196] : memref<6400xi32, #tpu.memory_space<vmem>> -> memref<256xi32, #tpu.memory_space<vmem>>
    %dma_start3A_198 = arith.constant 0 : i32
    %dma_start3A_199 = arith.constant 0 : i32
    %dma_start3A_200 = tpu.memref_slice %arg3[%dma_start3A_198, %dma_start3A_199] : memref<1000000x128xf32, #tpu.memory_space<hbm>> -> memref<1000000x128xf32, #tpu.memory_space<hbm>>
    tpu.enqueue_indirect_dma source(%dma_start3A_200 : memref<1000000x128xf32, #tpu.memory_space<hbm>>) target(%arg6 : memref<256x128xf32, #tpu.memory_space<vmem>>) offsets(%dma_start3A_197 : memref<256xi32, #tpu.memory_space<vmem>>) semaphore(%arg8 : memref<!tpu.dma_semaphore, #tpu.memory_space<semaphore_mem>>) {add = true}
    %dma_wait3A_201 = arith.constant 4864 : i32
    %dma_wait3A_202 = tpu.memref_slice %arg5[%dma_wait3A_201] : memref<6400xi32, #tpu.memory_space<vmem>> -> memref<256xi32, #tpu.memory_space<vmem>>
    %dma_wait3A_203 = arith.constant 0 : i32
    %dma_wait3A_204 = arith.constant 0 : i32
    %dma_wait3A_205 = tpu.memref_slice %arg3[%dma_wait3A_203, %dma_wait3A_204] : memref<1000000x128xf32, #tpu.memory_space<hbm>> -> memref<1000000x128xf32, #tpu.memory_space<hbm>>
    tpu.wait_indirect_dma semaphore(%arg9 : memref<!tpu.dma_semaphore, #tpu.memory_space<semaphore_mem>>) src(%dma_wait3A_205 : memref<1000000x128xf32, #tpu.memory_space<hbm>>) dst(%arg7 : memref<256x128xf32, #tpu.memory_space<vmem>>)
    %dma_start3A_206 = arith.constant 5376 : i32
    %dma_start3A_207 = tpu.memref_slice %arg5[%dma_start3A_206] : memref<6400xi32, #tpu.memory_space<vmem>> -> memref<256xi32, #tpu.memory_space<vmem>>
    %dma_start3A_208 = arith.constant 0 : i32
    %dma_start3A_209 = arith.constant 0 : i32
    %dma_start3A_210 = tpu.memref_slice %arg3[%dma_start3A_208, %dma_start3A_209] : memref<1000000x128xf32, #tpu.memory_space<hbm>> -> memref<1000000x128xf32, #tpu.memory_space<hbm>>
    tpu.enqueue_indirect_dma source(%dma_start3A_210 : memref<1000000x128xf32, #tpu.memory_space<hbm>>) target(%arg7 : memref<256x128xf32, #tpu.memory_space<vmem>>) offsets(%dma_start3A_207 : memref<256xi32, #tpu.memory_space<vmem>>) semaphore(%arg9 : memref<!tpu.dma_semaphore, #tpu.memory_space<semaphore_mem>>) {add = true}
    %dma_wait3A_211 = arith.constant 5120 : i32
    %dma_wait3A_212 = tpu.memref_slice %arg5[%dma_wait3A_211] : memref<6400xi32, #tpu.memory_space<vmem>> -> memref<256xi32, #tpu.memory_space<vmem>>
    %dma_wait3A_213 = arith.constant 0 : i32
    %dma_wait3A_214 = arith.constant 0 : i32
    %dma_wait3A_215 = tpu.memref_slice %arg3[%dma_wait3A_213, %dma_wait3A_214] : memref<1000000x128xf32, #tpu.memory_space<hbm>> -> memref<1000000x128xf32, #tpu.memory_space<hbm>>
    tpu.wait_indirect_dma semaphore(%arg8 : memref<!tpu.dma_semaphore, #tpu.memory_space<semaphore_mem>>) src(%dma_wait3A_215 : memref<1000000x128xf32, #tpu.memory_space<hbm>>) dst(%arg6 : memref<256x128xf32, #tpu.memory_space<vmem>>)
    %dma_start3A_216 = arith.constant 5632 : i32
    %dma_start3A_217 = tpu.memref_slice %arg5[%dma_start3A_216] : memref<6400xi32, #tpu.memory_space<vmem>> -> memref<256xi32, #tpu.memory_space<vmem>>
    %dma_start3A_218 = arith.constant 0 : i32
    %dma_start3A_219 = arith.constant 0 : i32
    %dma_start3A_220 = tpu.memref_slice %arg3[%dma_start3A_218, %dma_start3A_219] : memref<1000000x128xf32, #tpu.memory_space<hbm>> -> memref<1000000x128xf32, #tpu.memory_space<hbm>>
    tpu.enqueue_indirect_dma source(%dma_start3A_220 : memref<1000000x128xf32, #tpu.memory_space<hbm>>) target(%arg6 : memref<256x128xf32, #tpu.memory_space<vmem>>) offsets(%dma_start3A_217 : memref<256xi32, #tpu.memory_space<vmem>>) semaphore(%arg8 : memref<!tpu.dma_semaphore, #tpu.memory_space<semaphore_mem>>) {add = true}
    %dma_wait3A_221 = arith.constant 5376 : i32
    %dma_wait3A_222 = tpu.memref_slice %arg5[%dma_wait3A_221] : memref<6400xi32, #tpu.memory_space<vmem>> -> memref<256xi32, #tpu.memory_space<vmem>>
    %dma_wait3A_223 = arith.constant 0 : i32
    %dma_wait3A_224 = arith.constant 0 : i32
    %dma_wait3A_225 = tpu.memref_slice %arg3[%dma_wait3A_223, %dma_wait3A_224] : memref<1000000x128xf32, #tpu.memory_space<hbm>> -> memref<1000000x128xf32, #tpu.memory_space<hbm>>
    tpu.wait_indirect_dma semaphore(%arg9 : memref<!tpu.dma_semaphore, #tpu.memory_space<semaphore_mem>>) src(%dma_wait3A_225 : memref<1000000x128xf32, #tpu.memory_space<hbm>>) dst(%arg7 : memref<256x128xf32, #tpu.memory_space<vmem>>)
    %dma_start3A_226 = arith.constant 5888 : i32
    %dma_start3A_227 = tpu.memref_slice %arg5[%dma_start3A_226] : memref<6400xi32, #tpu.memory_space<vmem>> -> memref<256xi32, #tpu.memory_space<vmem>>
    %dma_start3A_228 = arith.constant 0 : i32
    %dma_start3A_229 = arith.constant 0 : i32
    %dma_start3A_230 = tpu.memref_slice %arg3[%dma_start3A_228, %dma_start3A_229] : memref<1000000x128xf32, #tpu.memory_space<hbm>> -> memref<1000000x128xf32, #tpu.memory_space<hbm>>
    tpu.enqueue_indirect_dma source(%dma_start3A_230 : memref<1000000x128xf32, #tpu.memory_space<hbm>>) target(%arg7 : memref<256x128xf32, #tpu.memory_space<vmem>>) offsets(%dma_start3A_227 : memref<256xi32, #tpu.memory_space<vmem>>) semaphore(%arg9 : memref<!tpu.dma_semaphore, #tpu.memory_space<semaphore_mem>>) {add = true}
    %dma_wait3A_231 = arith.constant 5632 : i32
    %dma_wait3A_232 = tpu.memref_slice %arg5[%dma_wait3A_231] : memref<6400xi32, #tpu.memory_space<vmem>> -> memref<256xi32, #tpu.memory_space<vmem>>
    %dma_wait3A_233 = arith.constant 0 : i32
    %dma_wait3A_234 = arith.constant 0 : i32
    %dma_wait3A_235 = tpu.memref_slice %arg3[%dma_wait3A_233, %dma_wait3A_234] : memref<1000000x128xf32, #tpu.memory_space<hbm>> -> memref<1000000x128xf32, #tpu.memory_space<hbm>>
    tpu.wait_indirect_dma semaphore(%arg8 : memref<!tpu.dma_semaphore, #tpu.memory_space<semaphore_mem>>) src(%dma_wait3A_235 : memref<1000000x128xf32, #tpu.memory_space<hbm>>) dst(%arg6 : memref<256x128xf32, #tpu.memory_space<vmem>>)
    %dma_start3A_236 = arith.constant 6144 : i32
    %dma_start3A_237 = tpu.memref_slice %arg5[%dma_start3A_236] : memref<6400xi32, #tpu.memory_space<vmem>> -> memref<256xi32, #tpu.memory_space<vmem>>
    %dma_start3A_238 = arith.constant 0 : i32
    %dma_start3A_239 = arith.constant 0 : i32
    %dma_start3A_240 = tpu.memref_slice %arg3[%dma_start3A_238, %dma_start3A_239] : memref<1000000x128xf32, #tpu.memory_space<hbm>> -> memref<1000000x128xf32, #tpu.memory_space<hbm>>
    tpu.enqueue_indirect_dma source(%dma_start3A_240 : memref<1000000x128xf32, #tpu.memory_space<hbm>>) target(%arg6 : memref<256x128xf32, #tpu.memory_space<vmem>>) offsets(%dma_start3A_237 : memref<256xi32, #tpu.memory_space<vmem>>) semaphore(%arg8 : memref<!tpu.dma_semaphore, #tpu.memory_space<semaphore_mem>>) {add = true}
    %dma_wait3A_241 = arith.constant 6144 : i32
    %dma_wait3A_242 = tpu.memref_slice %arg5[%dma_wait3A_241] : memref<6400xi32, #tpu.memory_space<vmem>> -> memref<256xi32, #tpu.memory_space<vmem>>
    %dma_wait3A_243 = arith.constant 0 : i32
    %dma_wait3A_244 = arith.constant 0 : i32
    %dma_wait3A_245 = tpu.memref_slice %arg3[%dma_wait3A_243, %dma_wait3A_244] : memref<1000000x128xf32, #tpu.memory_space<hbm>> -> memref<1000000x128xf32, #tpu.memory_space<hbm>>
    tpu.wait_indirect_dma semaphore(%arg8 : memref<!tpu.dma_semaphore, #tpu.memory_space<semaphore_mem>>) src(%dma_wait3A_245 : memref<1000000x128xf32, #tpu.memory_space<hbm>>) dst(%arg6 : memref<256x128xf32, #tpu.memory_space<vmem>>)
    %dma_wait3A_246 = arith.constant 5888 : i32
    %dma_wait3A_247 = tpu.memref_slice %arg5[%dma_wait3A_246] : memref<6400xi32, #tpu.memory_space<vmem>> -> memref<256xi32, #tpu.memory_space<vmem>>
    %dma_wait3A_248 = arith.constant 0 : i32
    %dma_wait3A_249 = arith.constant 0 : i32
    %dma_wait3A_250 = tpu.memref_slice %arg3[%dma_wait3A_248, %dma_wait3A_249] : memref<1000000x128xf32, #tpu.memory_space<hbm>> -> memref<1000000x128xf32, #tpu.memory_space<hbm>>
    tpu.wait_indirect_dma semaphore(%arg9 : memref<!tpu.dma_semaphore, #tpu.memory_space<semaphore_mem>>) src(%dma_wait3A_250 : memref<1000000x128xf32, #tpu.memory_space<hbm>>) dst(%arg7 : memref<256x128xf32, #tpu.memory_space<vmem>>)
    %scan3A = arith.constant 0 : i32
    %scan3A_251 = arith.constant 0 : i32
    %scan3A_252 = arith.constant 512 : i32
    %scan3A_253 = arith.addi %scan3A_251, %scan3A_252 : i32
    %scan3A_254 = arith.constant 1 : i32
    scf.for %scan3A_256 = %scan3A_251 to %scan3A_253 step %scan3A_254  : i32 {
      %jit3A = arith.constant 4 : i32
      %div3A = arith.divsi %scan3A_256, %jit3A : i32
      %sign3A = arith.constant 0 : i32
      %sign3A_257 = arith.cmpi sgt, %scan3A_256, %sign3A : i32
      %sign3A_258 = arith.extui %sign3A_257 : i1 to i32
      %sign3A_259 = arith.constant 0 : i32
      %sign3A_260 = arith.cmpi slt, %scan3A_256, %sign3A_259 : i32
      %sign3A_261 = arith.extui %sign3A_260 : i1 to i32
      %sign3A_262 = arith.subi %sign3A_258, %sign3A_261 : i32
      %sign3A_263 = arith.constant 0 : i32
      %sign3A_264 = arith.cmpi sgt, %jit3A, %sign3A_263 : i32
      %sign3A_265 = arith.extui %sign3A_264 : i1 to i32
      %sign3A_266 = arith.constant 0 : i32
      %sign3A_267 = arith.cmpi slt, %jit3A, %sign3A_266 : i32
      %sign3A_268 = arith.extui %sign3A_267 : i1 to i32
      %sign3A_269 = arith.subi %sign3A_265, %sign3A_268 : i32
      %ne3A = arith.cmpi ne, %sign3A_262, %sign3A_269 : i32
      %rem3A = arith.remsi %scan3A_256, %jit3A : i32
      %ne3A_270 = arith.constant 0 : i32
      %ne3A_271 = arith.cmpi ne, %rem3A, %ne3A_270 : i32
      %and3A = arith.andi %ne3A, %ne3A_271 : i1
      %sub3A = arith.constant 1 : i32
      %sub3A_272 = arith.subi %div3A, %sub3A : i32
      %select_n3A = arith.select %and3A, %sub3A_272, %div3A : i32
      %jit3A_273 = arith.constant 4 : i32
      %eq3A = arith.constant 0 : i32
      %eq3A_274 = arith.cmpi eq, %jit3A_273, %eq3A : i32
      %jit3A_275 = arith.constant 1 : i32
      %select_n3A_276 = arith.select %eq3A_274, %jit3A_275, %jit3A_273 : i32
      %rem3A_277 = arith.remsi %scan3A_256, %select_n3A_276 : i32
      %ne3A_278 = arith.constant 0 : i32
      %ne3A_279 = arith.cmpi ne, %rem3A_277, %ne3A_278 : i32
      %lt3A = arith.constant 0 : i32
      %lt3A_280 = arith.cmpi slt, %rem3A_277, %lt3A : i32
      %lt3A_281 = arith.constant 0 : i32
      %lt3A_282 = arith.cmpi slt, %select_n3A_276, %lt3A_281 : i32
      %ne3A_283 = arith.xori %lt3A_280, %lt3A_282 : i1
      %and3A_284 = arith.andi %ne3A_283, %ne3A_279 : i1
      %add3A_285 = arith.addi %rem3A_277, %select_n3A_276 : i32
      %select_n3A_286 = arith.select %and3A_284, %add3A_285, %rem3A_277 : i32
      %mul3A_287 = arith.constant 16 : i32
      %mul3A_288 = arith.muli %select_n3A_286, %mul3A_287 : i32
      %get3A = arith.index_cast %select_n3A : i32 to index
      %get3A_289 = arith.index_cast %mul3A_288 : i32 to index
      %get3A_290 = tpu.vector_load %arg6[%get3A, %get3A_289] {strides = array<i32>} : memref<256x128xf32, #tpu.memory_space<vmem>>, vector<1x16xf32>,
      %get3A_291 = vector.shape_cast %get3A_290 : vector<1x16xf32> to vector<16xf32>
      %add3A_292 = arith.constant 128 : i32
      %add3A_293 = arith.addi %add3A_292, %select_n3A : i32
      %get3A_294 = arith.index_cast %add3A_293 : i32 to index
      %get3A_295 = arith.index_cast %mul3A_288 : i32 to index
      %get3A_296 = tpu.vector_load %arg6[%get3A_294, %get3A_295] {strides = array<i32>} : memref<256x128xf32, #tpu.memory_space<vmem>>, vector<1x16xf32>,
      %get3A_297 = vector.shape_cast %get3A_296 : vector<1x16xf32> to vector<16xf32>
      %add3A_298 = arith.addf %get3A_291, %get3A_297 : vector<16xf32>
      %get3A_299 = arith.index_cast %select_n3A : i32 to index
      %get3A_300 = arith.index_cast %mul3A_288 : i32 to index
      %get3A_301 = tpu.vector_load %arg7[%get3A_299, %get3A_300] {strides = array<i32>} : memref<256x128xf32, #tpu.memory_space<vmem>>, vector<1x16xf32>,
      %get3A_302 = vector.shape_cast %get3A_301 : vector<1x16xf32> to vector<16xf32>
      %add3A_303 = arith.addf %add3A_298, %get3A_302 : vector<16xf32>
      %add3A_304 = arith.constant 128 : i32
      %add3A_305 = arith.addi %add3A_304, %select_n3A : i32
      %get3A_306 = arith.index_cast %add3A_305 : i32 to index
      %get3A_307 = arith.index_cast %mul3A_288 : i32 to index
      %get3A_308 = tpu.vector_load %arg7[%get3A_306, %get3A_307] {strides = array<i32>} : memref<256x128xf32, #tpu.memory_space<vmem>>, vector<1x16xf32>,
      %get3A_309 = vector.shape_cast %get3A_308 : vector<1x16xf32> to vector<16xf32>
      %add3A_310 = arith.addf %add3A_303, %get3A_309 : vector<16xf32>
      %swap3A = arith.index_cast %select_n3A : i32 to index
      %swap3A_311 = arith.index_cast %mul3A_288 : i32 to index
      %swap3A_312 = tpu.vector_load %arg6[%swap3A, %swap3A_311] {strides = array<i32>} : memref<256x128xf32, #tpu.memory_space<vmem>>, vector<1x16xf32>,
      %swap3A_313 = vector.shape_cast %swap3A_312 : vector<1x16xf32> to vector<16xf32>
      %swap3A_314 = vector.shape_cast %add3A_310 : vector<16xf32> to vector<1x16xf32>
      tpu.vector_store %arg6[%swap3A, %swap3A_311], %swap3A_314 {strides = array<i32>} : memref<256x128xf32, #tpu.memory_space<vmem>>, vector<1x16xf32>,
    }
    %scan3A_255 = arith.constant 512 : i32
    "tpu.region"() ({
      %run_scoped3A = tpu.sem_alloc : memref<!tpu.dma_semaphore, #tpu.memory_space<semaphore_mem>>
      %dma_start3A_256 = arith.constant 0 : i32
      %dma_start3A_257 = arith.constant 0 : i32
      %dma_start3A_258 = tpu.memref_slice %arg6[%dma_start3A_256, %dma_start3A_257] : memref<256x128xf32, #tpu.memory_space<vmem>> -> memref<128x128xf32, #tpu.memory_space<vmem>>
      %dma_start3A_259 = arith.constant 0 : i32
      %dma_start3A_260 = tpu.memref_slice %arg4[%mul3A_2, %dma_start3A_259] : memref<4096x128xf32, #tpu.memory_space<hbm>> -> memref<128x128xf32, #tpu.memory_space<hbm>>
      %dma_start3A_261 = arith.constant 0 : i32
      %dma_start3A_262 = tpu.memref_slice %arg4[%mul3A_2, %dma_start3A_261] : memref<4096x128xf32, #tpu.memory_space<hbm>> -> memref<128x128xf32, #tpu.memory_space<hbm>>
      %dma_start3A_263 = arith.constant 0 : i32
      %dma_start3A_264 = arith.constant 0 : i32
      %dma_start3A_265 = tpu.memref_slice %arg6[%dma_start3A_263, %dma_start3A_264] : memref<256x128xf32, #tpu.memory_space<vmem>> -> memref<128x128xf32, #tpu.memory_space<vmem>>
      tpu.enqueue_dma source(%dma_start3A_265 : memref<128x128xf32, #tpu.memory_space<vmem>>) target(%dma_start3A_262 : memref<128x128xf32, #tpu.memory_space<hbm>>) target_semaphore(%run_scoped3A : memref<!tpu.dma_semaphore, #tpu.memory_space<semaphore_mem>>)
      %dma_wait3A_266 = arith.constant 0 : i32
      %dma_wait3A_267 = arith.constant 0 : i32
      %dma_wait3A_268 = tpu.memref_slice %arg6[%dma_wait3A_266, %dma_wait3A_267] : memref<256x128xf32, #tpu.memory_space<vmem>> -> memref<128x128xf32, #tpu.memory_space<vmem>>
      %dma_wait3A_269 = arith.constant 0 : i32
      %dma_wait3A_270 = tpu.memref_slice %arg4[%mul3A_2, %dma_wait3A_269] : memref<4096x128xf32, #tpu.memory_space<hbm>> -> memref<128x128xf32, #tpu.memory_space<hbm>>
      %dma_wait3A_271 = arith.constant 0 : i32
      %dma_wait3A_272 = tpu.memref_slice %arg4[%mul3A_2, %dma_wait3A_271] : memref<4096x128xf32, #tpu.memory_space<hbm>> -> memref<128x128xf32, #tpu.memory_space<hbm>>
      %dma_wait3A_273 = arith.constant 0 : i32
      %dma_wait3A_274 = arith.constant 0 : i32
      %dma_wait3A_275 = tpu.memref_slice %arg6[%dma_wait3A_273, %dma_wait3A_274] : memref<256x128xf32, #tpu.memory_space<vmem>> -> memref<128x128xf32, #tpu.memory_space<vmem>>
      tpu.wait_dma2 semaphore(%run_scoped3A : memref<!tpu.dma_semaphore, #tpu.memory_space<semaphore_mem>>) src(%dma_wait3A_275 : memref<128x128xf32, #tpu.memory_space<vmem>>) dst(%dma_wait3A_272 : memref<128x128xf32, #tpu.memory_space<hbm>>)
      tpu.yield
    }) : () -> ()
    return
  }
}

module attributes {stable_mosaic.version = 14 : i64} {
  func.func @_tc_body(%arg0: i32, %arg1: memref<512x128xf32, #tpu.memory_space<vmem>>, %arg2: memref<50x512xi32, #tpu.memory_space<vmem>>, %arg3: memref<1000x64xf32, #tpu.memory_space<vmem>>, %arg4: memref<1000x1xf32, #tpu.memory_space<vmem>>, %arg5: memref<1x64xf32, #tpu.memory_space<vmem>>, %arg6: memref<1000x512xf32, #tpu.memory_space<vmem>>) attributes {dimension_semantics = [#tpu.dimension_semantics<arbitrary>], iteration_bounds = array<i64: 8>, scalar_prefetch = 0 : i64, scratch_operands = 0 : i64, tpu.core_type = #tpu.core_type<tc>, window_params = [{transform_indices = @transform_0, window_bounds = array<i64: 512, 128>}, {transform_indices = @transform_1, window_bounds = array<i64: 50, 512>}, {pipeline_mode = #tpu.pipeline_mode<synchronous>, transform_indices = @transform_2, window_bounds = array<i64: 1000, 64>}, {pipeline_mode = #tpu.pipeline_mode<synchronous>, transform_indices = @transform_3, window_bounds = array<i64: 1000, 1>}, {pipeline_mode = #tpu.pipeline_mode<synchronous>, transform_indices = @transform_4, window_bounds = array<i64: 1, 64>}, {transform_indices = @transform_5, window_bounds = array<i64: 1000, 512>}]} {
    %get3A = arith.constant 0 : index
    %get3A_0 = arith.constant 0 : index
    %get3A_1 = vector.load %arg1[%get3A, %get3A_0] : memref<512x128xf32, #tpu.memory_space<vmem>>, vector<512x64xf32>
    %get3A_2 = arith.constant 0 : index
    %get3A_3 = arith.constant 0 : index
    %get3A_4 = vector.load %arg2[%get3A_2, %get3A_3] : memref<50x512xi32, #tpu.memory_space<vmem>>, vector<50x512xi32>
    %eq3A = arith.constant 0 : i32
    %eq3A_5 = vector.broadcast %eq3A : i32 to vector<50x512xi32>
    %eq3A_6 = arith.cmpi eq, %get3A_4, %eq3A_5 : vector<50x512xi32>
    %convert_element_type3A = arith.extui %eq3A_6 : vector<50x512xi1> to vector<50x512xi32>
    %convert_element_type3A_7 = arith.sitofp %convert_element_type3A : vector<50x512xi32> to vector<50x512xf32>
    %reduce_sum3A = arith.constant dense<0.000000e+00> : vector<512xf32>
    %reduce_sum3A_8 = vector.multi_reduction <add>, %convert_element_type3A_7, %reduce_sum3A [0] : vector<50x512xf32> to vector<512xf32>
    %broadcast_in_dim3A = vector.shape_cast %reduce_sum3A_8 : vector<512xf32> to vector<1x512xf32>
    %get3A_9 = arith.constant 0 : index
    %get3A_10 = arith.constant 0 : index
    %get3A_11 = vector.load %arg3[%get3A_9, %get3A_10] : memref<1000x64xf32, #tpu.memory_space<vmem>>, vector<1000x64xf32>
    %get3A_12 = arith.constant 0 : index
    %get3A_13 = arith.constant 0 : index
    %get3A_14 = vector.load %arg5[%get3A_12, %get3A_13] : memref<1x64xf32, #tpu.memory_space<vmem>>, vector<1x64xf32>
    %dot_general3A = arith.constant dense<0.000000e+00> : vector<1000x1xf32>
    %dot_general3A_15 = tpu.matmul %get3A_11, %get3A_14, %dot_general3A {dimension_numbers = #tpu.dot_dimension_numbers<[1], [1], [0], [0], [0, 0, 1, 0], [], []>, precision = #tpu.contract_precision<fp32>, transpose_lhs_hint = false} : vector<1000x64xf32>, vector<1x64xf32>, vector<1000x1xf32> -> vector<1000x1xf32>
    %dot_general3A_16 = arith.constant dense<0.000000e+00> : vector<1000x512xf32>
    %dot_general3A_17 = tpu.matmul %get3A_11, %get3A_1, %dot_general3A_16 {dimension_numbers = #tpu.dot_dimension_numbers<[1], [1], [0], [0], [0, 0, 1, 0], [], []>, precision = #tpu.contract_precision<fp32>, transpose_lhs_hint = false} : vector<1000x64xf32>, vector<512x64xf32>, vector<1000x512xf32> -> vector<1000x512xf32>
    %get3A_18 = arith.constant 0 : index
    %get3A_19 = arith.constant 0 : index
    %get3A_20 = vector.load %arg4[%get3A_18, %get3A_19] : memref<1000x1xf32, #tpu.memory_space<vmem>>, vector<1000x1xf32>
    %add3A = vector.broadcast %get3A_20 : vector<1000x1xf32> to vector<1000x512xf32>
    %add3A_21 = arith.addf %dot_general3A_17, %add3A : vector<1000x512xf32>
    %mul3A = vector.broadcast %dot_general3A_15 : vector<1000x1xf32> to vector<1000x512xf32>
    %mul3A_22 = vector.broadcast %broadcast_in_dim3A : vector<1x512xf32> to vector<1000x512xf32>
    %mul3A_23 = arith.mulf %mul3A, %mul3A_22 : vector<1000x512xf32>
    %sub3A = arith.subf %add3A_21, %mul3A_23 : vector<1000x512xf32>
    %swap3A = arith.constant 0 : index
    %swap3A_24 = arith.constant 0 : index
    %swap3A_25 = vector.load %arg6[%swap3A, %swap3A_24] : memref<1000x512xf32, #tpu.memory_space<vmem>>, vector<1000x512xf32>
    tpu.vector_store %arg6[%swap3A, %swap3A_24], %sub3A {strides = array<i32>} : memref<1000x512xf32, #tpu.memory_space<vmem>>, vector<1000x512xf32>,
    return
  }
  func.func @transform_0(%arg0: i32) -> (i32, i32) {
    %c0_i32 = arith.constant 0 : i32
    %c0_i32_0 = arith.constant 0 : i32
    return %arg0, %c0_i32 : i32, i32
  }
  func.func @transform_1(%arg0: i32) -> (i32, i32) {
    %c0_i32 = arith.constant 0 : i32
    %c0_i32_0 = arith.constant 0 : i32
    return %c0_i32, %arg0 : i32, i32
  }
  func.func @transform_2(%arg0: i32) -> (i32, i32) {
    %c0_i32 = arith.constant 0 : i32
    %c0_i32_0 = arith.constant 0 : i32
    %c0_i32_1 = arith.constant 0 : i32
    return %c0_i32, %c0_i32_0 : i32, i32
  }
  func.func @transform_3(%arg0: i32) -> (i32, i32) {
    %c0_i32 = arith.constant 0 : i32
    %c0_i32_0 = arith.constant 0 : i32
    %c0_i32_1 = arith.constant 0 : i32
    return %c0_i32, %c0_i32_0 : i32, i32
  }
  func.func @transform_4(%arg0: i32) -> (i32, i32) {
    %c0_i32 = arith.constant 0 : i32
    %c0_i32_0 = arith.constant 0 : i32
    %c0_i32_1 = arith.constant 0 : i32
    return %c0_i32, %c0_i32_0 : i32, i32
  }
  func.func @transform_5(%arg0: i32) -> (i32, i32) {
    %c0_i32 = arith.constant 0 : i32
    %c0_i32_0 = arith.constant 0 : i32
    return %c0_i32, %arg0 : i32, i32
  }
}

</mosaic_0001>

<sc_bundles>
// kernel: kernel.4.cloned.1.call-start
scs
__scs_entry_jumppad:
0x0: {  	(pc) =	sbr.rel $0x88, $3  }
0x1: {  	(tag) =	ssettag $0x0;
	lr =	simm.s32 $0x1  }
0x2: {  	[smem:$0x3F9D] =	sst lr;
	_ =	strace $0xD0000000  }
0x3: {  	_ = 	snop  }
0x4: {  	_ = 	snop  }
0x5: {  	_ = 	snop  }
0x6: {  	_ = 	snop  }
0x7: {  	_ = 	snop  }
__scs_overlays_trampoline_lowered:
0x8: {  	[smem:$0x3FAC] =	sst s0  }
0x9: {  	[smem:$0x3FAD] =	sst s1  }
0xa: {  	[smem:$0x3FAE] =	sst s2  }
0xb: {  	[smem:$0x3FAF] =	sst s3  }
0xc: {  	[smem:$0x3FB0] =	sst s4  }
0xd: {  	[smem:$0x3FB1] =	sst s5  }
0xe: {  	[smem:$0x3FB2] =	sst s6  }
0xf: {  	[smem:$0x3FB3] =	sst s7  }
0x10: {  	[smem:$0x3FB4] =	sst s8  }
0x11: {  	[smem:$0x3FB5] =	sst s9;
	s0 =	simm.s32 @!p0 $0x0  }
0x12: {  	s1 =	sld [smem:$0x3F9B];
	s0 =	simm.s32 @p0 $0x1  }
0x13: {  	[smem:$0x3FB6] =	sst s0;
	s0 =	simm.s32 @!p1 $0x0  }
0x14: {  	s2 =	sld [smem:$0x3F9A];
	s0 =	simm.s32 @p1 $0x1  }
0x15: {  	[smem:$0x3FB7] =	sst s0;
	s0 =	simm.s32 @!p2 $0x0  }
0x16: {  	s3 =	sld [smem:$0x3FDB];
	s0 =	simm.s32 @p2 $0x1  }
0x17: {  	s4 =	simm.s32 $0x1BF5;
	[smem:$0x3FB9] =	sst s0  }
0x18: {  	s0 =	sld [smem:$0x3F9C];
	_ =	swait.ge [sflag:s4], $0x0  }
0x19: {  	s7 =	sld [smem:$0x3F9D]  }
0x1a: {  	s8 =	sadd.s32 $0xFFFFE003, lr  }
0x1b: {  	s9 =	sadd.s32 $0xFFFFFEF7, lr;
	s5 =	simm.s32 $0xFFFFFFFF;
	p2 =	slt.u32 s8, $0xFFFFF086  }
0x1c: {  	p1 =	slt.u32 s9, $0xF7A;
	s5 =	simm.s32 @!p2 $0x0  }
0x1d: {  	s5 =	simm.s32 @p1 $0x1;
	p0 =	seq.s32 s7, s2  }
0x1e: {  	s7 =	smul.u32 @!p0 $0xF7A, s2;
	p2 =	seq.s32 @!p0 s5, $0x0  }
0x1f: {  	s9 =	smul.u32 $0xF7A, s1;
	s8 =	simm.s32 @!p0 $0x1BF5;
	p2 =	por !p2, p0  }
0x20: {  	[sflag:s8] =	ssyncset.s32 @!p0 $0xFFFFF086;
	s6 =	sadd.s32 @!p0 s3, s7;
	s7 =	simm.s32 @!p0 $0x108  }
0x21: {  	s3 =	sadd.s32 s3, s9;
	s6 =	sadd.s32 @!p0 $0x88, s6;
	s7 =	simm.s32 @p2 $0x1082  }
0x22: {  	[simem:s7], [sflag:s8] =	dma.local @!p0 [hbm:s6], $0xF7A  }
0x23: {  	s9 =	sor.u32 $0xD0000000, s2;
	s6 =	simm.s32 $0x108;
	_ =	swait.ge @!p0 [sflag:s8], $0x0  }
0x24: {  	s3 =	sadd.s32 $0x88, s3;
	s6 =	simm.s32 @!p1 $0x1082;
	[sflag:s4] =	ssyncset.s32 $0xFFFFF086  }
0x25: {  	[simem:s6], [sflag:s4] =	dma.local [hbm:s3], $0xF7A  }
0x26: {  	[smem:$0x3F9D] =	sst s1;
	(tag) =	ssettag s2;
	_ =	strace s9  }
0x27: {  	s1 =	sld [smem:$0x3FAD]  }
0x28: {  	s2 =	sld [smem:$0x3FAE]  }
0x29: {  	s4 =	sld [smem:$0x3FB0]  }
0x2a: {  	p0 =	seq.s32 s5, $0x0;
	s5 =	sld [smem:$0x3FB1]  }
0x2b: {  	s6 =	sld [smem:$0x3FB2]  }
0x2c: {  	s7 =	sld [smem:$0x3FB3]  }
0x2d: {  	s3 =	simm.s32 $0x108;
	s8 =	sld [smem:$0x3FB4]  }
0x2e: {  	s3 =	simm.s32 @!p0 $0x1082;
	s9 =	sld [smem:$0x3FB5]  }
0x2f: {  	lr =	sadd.s32 s0, s3;
	s0 =	sld [smem:$0x3FAC]  }
0x30: {  	s3 =	sld [smem:$0x3FAF]  }
0x31: {  	[smem:$0x3FB8] =	sst s10  }
0x32: {  	s10 =	sld [smem:$0x3FB6];
	_ =	sdelay $0x3  }
0x33: {  	p0 =	seq.s32 s10, $0x1;
	s10 =	sld [smem:$0x3FB8];
	_ =	sdelay $0x3  }
0x34: {  	[smem:$0x3FB8] =	sst s10  }
0x35: {  	s10 =	sld [smem:$0x3FB7];
	_ =	sdelay $0x3  }
0x36: {  	p1 =	seq.s32 s10, $0x1;
	s10 =	sld [smem:$0x3FB8];
	_ =	sdelay $0x3  }
0x37: {  	[smem:$0x3FB8] =	sst s10  }
0x38: {  	s10 =	sld [smem:$0x3FB9]  }
0x39: {  	_ = 	snop;
	(pc) =	sbr.ind lr, $3  }
0x3a: {  	_ = 	snop  }
0x3b: {  	_ = 	snop  }
0x3c: {  	p2 =	seq.s32 s10, $0x1;
	s10 =	sld [smem:$0x3FB8]  }
0x3d: {  	_ =	shalt  }
0x3e: {  	_ =	shalt  }
0x3f: {  	_ =	shalt  }
0x40: {  	_ =	shalt  }
0x41: {  	_ =	shalt  }
0x42: {  	_ =	shalt  }
0x43: {  	_ =	shalt  }
0x44: {  	_ =	shalt  }
0x45: {  	_ =	shalt  }
0x46: {  	_ =	shalt  }
0x47: {  	_ =	shalt  }
0x48: {  	_ =	shalt  }
0x49: {  	_ =	shalt  }
0x4a: {  	_ =	shalt  }
0x4b: {  	_ =	shalt  }
0x4c: {  	_ =	shalt  }
0x4d: {  	_ =	shalt  }
0x4e: {  	_ =	shalt  }
0x4f: {  	_ =	shalt  }
0x50: {  	_ =	shalt  }
0x51: {  	_ =	shalt  }
0x52: {  	_ =	shalt  }
0x53: {  	_ =	shalt  }
0x54: {  	_ =	shalt  }
0x55: {  	_ =	shalt  }
0x56: {  	_ =	shalt  }
0x57: {  	_ =	shalt  }
0x58: {  	_ =	shalt  }
0x59: {  	_ =	shalt  }
0x5a: {  	_ =	shalt  }
0x5b: {  	_ =	shalt  }
0x5c: {  	_ =	shalt  }
0x5d: {  	_ =	shalt  }
0x5e: {  	_ =	shalt  }
0x5f: {  	_ =	shalt  }
0x60: {  	_ =	shalt  }
0x61: {  	_ =	shalt  }
0x62: {  	_ =	shalt  }
0x63: {  	_ =	shalt  }
0x64: {  	_ =	shalt  }
0x65: {  	_ =	shalt  }
0x66: {  	_ =	shalt  }
0x67: {  	_ =	shalt  }
0x68: {  	_ =	shalt  }
0x69: {  	_ =	shalt  }
0x6a: {  	_ =	shalt  }
0x6b: {  	_ =	shalt  }
0x6c: {  	_ =	shalt  }
0x6d: {  	_ =	shalt  }
0x6e: {  	_ =	shalt  }
0x6f: {  	_ =	shalt  }
0x70: {  	_ =	shalt  }
0x71: {  	_ =	shalt  }
0x72: {  	_ =	shalt  }
0x73: {  	_ =	shalt  }
0x74: {  	_ =	shalt  }
0x75: {  	_ =	shalt  }
0x76: {  	_ =	shalt  }
0x77: {  	_ =	shalt  }
0x78: {  	_ =	shalt  }
0x79: {  	_ =	shalt  }
0x7a: {  	_ =	shalt  }
0x7b: {  	_ =	shalt  }
0x7c: {  	_ =	shalt  }
0x7d: {  	_ =	shalt  }
0x7e: {  	_ =	shalt  }
0x7f: {  	_ =	shalt  }
0x80: {  	_ =	shalt  }
0x81: {  	_ =	shalt  }
0x82: {  	_ =	shalt  }
0x83: {  	_ =	shalt  }
0x84: {  	_ =	shalt  }
0x85: {  	_ =	shalt  }
0x86: {  	_ =	shalt  }
0x87: {  	_ =	shalt  }
.Lfunc_end0:
.L_simem_size_0:
called_computation_lowered:
.L_overlay_start_0:
0x88: {  	s2 =	sld [smem:$0x3FD9]  }
0x89: {  	s3 =	sld [smem:$0x3FFE];
	_ =	sdelay $0x1  }
0x8a: {  	s1 =	srdreg.scid  }
0x8b: {  	s0 =	sand.u32 $0x1, s1  }
0x8c: {  	s17 =	sshll.u32 s0, $0xA;
	s2 =	sadd.s32 s3, s2  }
0x8d: {  	s2 =	sadd.s32 s2, s17  }
0x8e: {  	[smem:$0x3FC4] =	sst s2  }
0x8f: {  	_ = 	snop  }
0x90: {  	s2 =	sld [smem:$0x3FD0];
	(tm) =	ssettm $0x1  }
0x91: {  	s18 =	sld [smem:$0x3FFB];
	_ =	sdelay $0x3  }
0x92: {  	_ =	strace s18  }
0x93: {  	s3 =	sld [smem:$0x3FFC];
	_ =	sdelay $0x3  }
0x94: {  	_ =	strace s3  }
0x95: {  	s3 =	sld [smem:$0x3FFD];
	_ =	sdelay $0x3  }
0x96: {  	_ =	strace s3  }
0x97: {  	_ =	strace $0x8FFFFFFF  }
0x98: {  	s19 =	sld [smem:$0x3FDB];
	_ =	sdelay $0x1  }
0x99: {  	s4 =	simm.s32 $_scs_section_size  }
0x9a: {  	s5 =	simm.s32 $_size__tile_overlayer_lowered;
	s6 =	simm.s32 $_tile_overlayer_lowered  }
0x9b: {  	s22 =	simm.s32 $0x1BFF;
	s21 =	sshll.u32 s6, $0x1;
	s3 =	sadd.s32 s4, s19  }
0x9c: {  	s7 =	simm.s32 $0x0;
	s20 =	sshll.u32 s5, $0x1;
	s5 =	sadd.s32 s21, s3  }
0x9d: {  	[timem:s7], [sflag:s22] =	dma.local [hbm:s5], s20  }
0x9e: {  	_ =	swait.ge [sflag:s22], s20  }
0x9f: {  	s4 =	ssub.s32 $0x0, s20;
	[sflag:s22] =	ssyncset.done $0x0  }
0xa0: {  	[sflag:s22] =	ssyncadd.s32 s4;
	_ =	sdelay $0x1  }
0xa1: {  	s23 =	simm.s32 $0x1B8B  }
0xa2: {  	_ =	swait.ge [sflag:s23], $0x1  }
0xa3: {  	[sflag:s23] =	ssyncset.done $0x0  }
0xa4: {  	s25 =	simm.s32 $0x1B8E;
	s24 =	sld [smem:$0x3FFE];
	[sflag:s23] =	ssyncadd.s32 $0xFFFFFFFF  }
0xa5: {  	s26 =	simm.s32 $execute0_lowered;
	[smem:$0x3FD2] =	sst s25  }
0xa6: {  	s5 =	sshll.u32 s26, $0x1;
	_ =	strace $0x80000046;
	[dreg:$0x1] =	wrdreg $0xFFFFFFFF  }
0xa7: {  	s28 =	simm.s32 $_size_execute0_lowered;
	s3 =	sadd.s32 s3, s5;
	[dreg:$0x0] =	wrdreg $0x0  }
0xa8: {  	s5 =	sshll.u32 s28, $0x1;
	[dreg:$0x2] =	wrdreg s3  }
0xa9: {  	[dreg:$0x3] =	wrdreg s5  }
0xaa: {  	[dreg:$0x4] =	wrdreg $0xC0  }
0xab: {  	_ =	task [dreg:s7], $0x5FFFF  }
0xac: {  	[dreg:$0x1] =	wrdreg $0xFFFFFFFF  }
0xad: {  	[dreg:$0x0] =	wrdreg $0x60  }
0xae: {  	[dreg:$0x2] =	wrdreg s24  }
0xaf: {  	[dreg:$0x3] =	wrdreg s2  }
0xb0: {  	[dreg:$0x4] =	wrdreg $0x9  }
0xb1: {  	_ =	task.clear_ibuf [dreg:s7], $0x5FFFF;
	_ =	strace $0x90000046  }
0xb2: {  	s29 =	simm.s32 $0x9;
	_ =	strace $0x80000048  }
0xb3: {  	_ =	swait.ge [sflag:s29], $0x1  }
0xb4: {  	[sflag:s29] =	ssyncadd.s32 $0xFFFFFFFF  }
0xb5: {  	_ =	strace $0x90000048  }
0xb6: {  	_ =	sfence  }
0xb7: {  	s30 =	sld [smem:$0x0];
	_ =	sdelay $0x2  }
0xb8: {  	s31 =	sshll.u32 s1, $0xD;
	s1 =	sshrl.u32 s1, $0x2  }
0xb9: {  	s3 =	sand.u32 $0x4000, s31;
	s1 =	sadd.s32 s1, s30  }
0xba: {  	s0 =	sor.u32 s3, s0;
	s1 =	sshll.u32 s1, $0x11  }
0xbb: {  	s0 =	sor.u32 s1, s0  }
0xbc: {  	s0 =	sadd.s32 $0x8F2B, s0  }
0xbd: {  	[sflag:s0] =	ssyncadd.remote.s32 $0x1  }
0xbe: {  	_ =	sfence.sel $0xFFFF  }
0xbf: {  	[dreg:$0x0] =	wrdreg $0xFFFFFFFF;
	(pc) =	sbr.abs _section_cstart, $3  }
0xc0: {  	[dreg:$0x1] =	wrdreg $0xFFFFFFFF  }
0xc1: {  	_ =	task.clear_ibuf [dreg:s7], $0x2FFFF;
	_ =	strace $0x9FFFFFFF  }
0xc2: {  	(tm) =	ssettm $0x7FFFFFFF  }
0xc3: {  	_ =	shalt  }
tec
execute0_lowered:
.L_overlay_start_1:
0x0: {  	(tag) =	ssettag $0x1  }
0x1: {  	s0 =	srdreg.scid;
	s3 =	rddreg [dreg:$0x0]  }
0x2: {  	s2 =	stileid.u32;
	s5 =	rddreg [dreg:$0x1]  }
0x3: {  	s8 =	simm.s32 $0x400;
	s9 =	simm.s32 $0x3;
	s10 =	simm.s32 $0x100  }
0x4: {  	s11 =	simm.s32 $0x1900;
	s12 =	simm.s32 $0x9900;
	s13 =	simm.s32 $0x1  }
0x5: {  	s15 =	simm.s32 $0x2;
	s24 =	simm.s32 $0xC00;
	s25 =	simm.s32 $0xD00  }
0x6: {  	s28 =	simm.s32 $0xF00;
	s29 =	simm.s32 $0x1000;
	s30 =	simm.s32 $0x1100  }
0x7: {  	s31 =	simm.s32 $0x1200;
	s7 =	simm.s32 $0x1500;
	s14 =	simm.s32 $0x1600  }
0x8: {  	s16 =	simm.s32 $0x1700;
	s17 =	simm.s32 $0x1800;
	s18 =	simm.s32 $0x0  }
0x9: {  	s0 =	sand.u32 $0x1, s0;
	s1 =	sshll.u32 s2, $0x1;
	s2 =	sshrl.u32 s2, $0x2  }
0xa: {  	s1 =	sor.u32 s0, s1;
	s4 =	smul.u32 $0xC800, s2;
	s2 =	simm.s32 $0x0  }
0xb: {  	s0 =	ssub.s32 $0x2, s0;
	s6 =	sshll.u32 s1, $0x7;
	[smem:$0x7FF] =	sst s2  }
0xc: {  	s26 =	sshrl.u32 s0, $0x1;
	s1 =	sshll.u32 s1, $0xB;
	s6 =	sand.u32 $0x380, s6  }
0xd: {  	_ =	strace $0x80000047;
	s0 =	ssub.s32 s0, s26;
	s4 =	sor.u32 s4, s6  }
0xe: {  	s5 =	sadd.s32 s5, s1;
	s26 =	simm.s32 $0xE00;
	s4 =	sshrl.u32 s4, $0x3  }
0xf: {  	s1 =	simm.s32 $0x1300;
	s6 =	smax.u32 s0, $0x1;
	s4 =	sadd.s32 s4, s3  }
0x10: {  	s0 =	simm.s32 $0x1400;
	s3 =	sadd.s32 $0xF49400, s3;
	s4 =	sadd.s32 $0xC00, s4  }
.LBB2_1:
0x11: {  	s19 =	simm.s32 $0x80  }
0x12: {  	[tilespmem:s2], [sflag:$0x3] =	stream.strided.gather [hbm4b:s4+s19], $0x1900, s8, s19, $0x38;
	[tilespmem:$0x11900] =	vst v63  }
0x13: {  	_ =	swait.ge [sflag:s9], $0x1900  }
0x14: {  	[sflag:s9] =	ssyncset.done $0x0  }
0x15: {  	[sflag:s9] =	ssyncadd.s32 $0xFFFFE700  }
0x16: {  	[tilespmem:s11], [sflag:$0x1] =	stream.indirect.gather [hbm4b:s3+s10], $0x80, s2, s10, $0xb8;
	[tilespmem:$0x11900] =	vst v63  }
0x17: {  	_ = 	snop  }
0x18: {  	[tilespmem:s12], [sflag:$0x2] =	stream.indirect.gather [hbm4b:s3+s10], $0x80, s10, s10, $0xb8;
	[tilespmem:$0x11900] =	vst v63  }
0x19: {  	_ =	swait.ge [sflag:s13], $0x8000  }
0x1a: {  	[sflag:s13] =	ssyncset.done $0x0  }
0x1b: {  	s22 =	simm.s32 $0x200;
	[sflag:s13] =	ssyncadd.s32 $0xFFFF8000  }
0x1c: {  	[tilespmem:s11], [sflag:$0x1] =	stream.indirect.gather.add.f32 [hbm:s3], $0x80, s22, s10, $0xb8;
	[tilespmem:$0x11900] =	vst v63  }
0x1d: {  	_ =	swait.ge [sflag:s15], $0x8000  }
0x1e: {  	[sflag:s15] =	ssyncset.done $0x0  }
0x1f: {  	s23 =	simm.s32 $0x300;
	[sflag:s15] =	ssyncadd.s32 $0xFFFF8000  }
0x20: {  	[tilespmem:s12], [sflag:$0x2] =	stream.indirect.gather.add.f32 [hbm:s3], $0x80, s23, s10, $0xb8;
	[tilespmem:$0x11900] =	vst v63  }
0x21: {  	_ =	swait.ge [sflag:s13], $0x8000  }
0x22: {  	[sflag:s13] =	ssyncset.done $0x0  }
0x23: {  	[sflag:s13] =	ssyncadd.s32 $0xFFFF8000  }
0x24: {  	[tilespmem:s11], [sflag:$0x1] =	stream.indirect.gather.add.f32 [hbm:s3], $0x80, s8, s10, $0xb8;
	[tilespmem:$0x11900] =	vst v63  }
0x25: {  	_ =	swait.ge [sflag:s15], $0x8000  }
0x26: {  	[sflag:s15] =	ssyncset.done $0x0  }
0x27: {  	s20 =	simm.s32 $0x500;
	[sflag:s15] =	ssyncadd.s32 $0xFFFF8000  }
0x28: {  	[tilespmem:s12], [sflag:$0x2] =	stream.indirect.gather.add.f32 [hbm:s3], $0x80, s20, s10, $0xb8;
	[tilespmem:$0x11900] =	vst v63  }
0x29: {  	_ =	swait.ge [sflag:s13], $0x8000  }
0x2a: {  	[sflag:s13] =	ssyncset.done $0x0  }
0x2b: {  	s21 =	simm.s32 $0x600;
	[sflag:s13] =	ssyncadd.s32 $0xFFFF8000  }
0x2c: {  	[tilespmem:s11], [sflag:$0x1] =	stream.indirect.gather.add.f32 [hbm:s3], $0x80, s21, s10, $0xb8;
	[tilespmem:$0x11900] =	vst v63  }
0x2d: {  	_ =	swait.ge [sflag:s15], $0x8000  }
0x2e: {  	[sflag:s15] =	ssyncset.done $0x0  }
0x2f: {  	s22 =	simm.s32 $0x700;
	[sflag:s15] =	ssyncadd.s32 $0xFFFF8000  }
0x30: {  	[tilespmem:s12], [sflag:$0x2] =	stream.indirect.gather.add.f32 [hbm:s3], $0x80, s22, s10, $0xb8;
	[tilespmem:$0x11900] =	vst v63  }
0x31: {  	_ =	swait.ge [sflag:s13], $0x8000  }
0x32: {  	[sflag:s13] =	ssyncset.done $0x0  }
0x33: {  	s23 =	simm.s32 $0x800;
	[sflag:s13] =	ssyncadd.s32 $0xFFFF8000  }
0x34: {  	[tilespmem:s11], [sflag:$0x1] =	stream.indirect.gather.add.f32 [hbm:s3], $0x80, s23, s10, $0xb8;
	[tilespmem:$0x11900] =	vst v63  }
0x35: {  	_ =	swait.ge [sflag:s15], $0x8000  }
0x36: {  	[sflag:s15] =	ssyncset.done $0x0  }
0x37: {  	s20 =	simm.s32 $0x900;
	[sflag:s15] =	ssyncadd.s32 $0xFFFF8000  }
0x38: {  	[tilespmem:s12], [sflag:$0x2] =	stream.indirect.gather.add.f32 [hbm:s3], $0x80, s20, s10, $0xb8;
	[tilespmem:$0x11900] =	vst v63  }
0x39: {  	_ =	swait.ge [sflag:s13], $0x8000  }
0x3a: {  	[sflag:s13] =	ssyncset.done $0x0  }
0x3b: {  	s21 =	simm.s32 $0xA00;
	[sflag:s13] =	ssyncadd.s32 $0xFFFF8000  }
0x3c: {  	[tilespmem:s11], [sflag:$0x1] =	stream.indirect.gather.add.f32 [hbm:s3], $0x80, s21, s10, $0xb8;
	[tilespmem:$0x11900] =	vst v63  }
0x3d: {  	_ =	swait.ge [sflag:s15], $0x8000  }
0x3e: {  	[sflag:s15] =	ssyncset.done $0x0  }
0x3f: {  	s22 =	simm.s32 $0xB00;
	[sflag:s15] =	ssyncadd.s32 $0xFFFF8000  }
0x40: {  	[tilespmem:s12], [sflag:$0x2] =	stream.indirect.gather.add.f32 [hbm:s3], $0x80, s22, s10, $0xb8;
	[tilespmem:$0x11900] =	vst v63  }
0x41: {  	_ =	swait.ge [sflag:s13], $0x8000  }
0x42: {  	[sflag:s13] =	ssyncset.done $0x0  }
0x43: {  	[sflag:s13] =	ssyncadd.s32 $0xFFFF8000  }
0x44: {  	[tilespmem:s11], [sflag:$0x1] =	stream.indirect.gather.add.f32 [hbm:s3], $0x80, s24, s10, $0xb8;
	[tilespmem:$0x11900] =	vst v63  }
0x45: {  	_ =	swait.ge [sflag:s15], $0x8000  }
0x46: {  	[sflag:s15] =	ssyncset.done $0x0  }
0x47: {  	[sflag:s15] =	ssyncadd.s32 $0xFFFF8000  }
0x48: {  	[tilespmem:s12], [sflag:$0x2] =	stream.indirect.gather.add.f32 [hbm:s3], $0x80, s25, s10, $0xb8;
	[tilespmem:$0x11900] =	vst v63  }
0x49: {  	_ =	swait.ge [sflag:s13], $0x8000  }
0x4a: {  	[sflag:s13] =	ssyncset.done $0x0  }
0x4b: {  	[sflag:s13] =	ssyncadd.s32 $0xFFFF8000  }
0x4c: {  	[tilespmem:s11], [sflag:$0x1] =	stream.indirect.gather.add.f32 [hbm:s3], $0x80, s26, s10, $0xb8;
	[tilespmem:$0x11900] =	vst v63  }
0x4d: {  	_ =	swait.ge [sflag:s15], $0x8000  }
0x4e: {  	[sflag:s15] =	ssyncset.done $0x0  }
0x4f: {  	[sflag:s15] =	ssyncadd.s32 $0xFFFF8000  }
0x50: {  	[tilespmem:s12], [sflag:$0x2] =	stream.indirect.gather.add.f32 [hbm:s3], $0x80, s28, s10, $0xb8;
	[tilespmem:$0x11900] =	vst v63  }
0x51: {  	_ =	swait.ge [sflag:s13], $0x8000  }
0x52: {  	[sflag:s13] =	ssyncset.done $0x0  }
0x53: {  	[sflag:s13] =	ssyncadd.s32 $0xFFFF8000  }
0x54: {  	[tilespmem:s11], [sflag:$0x1] =	stream.indirect.gather.add.f32 [hbm:s3], $0x80, s29, s10, $0xb8;
	[tilespmem:$0x11900] =	vst v63  }
0x55: {  	_ =	swait.ge [sflag:s15], $0x8000  }
0x56: {  	[sflag:s15] =	ssyncset.done $0x0  }
0x57: {  	[sflag:s15] =	ssyncadd.s32 $0xFFFF8000  }
0x58: {  	[tilespmem:s12], [sflag:$0x2] =	stream.indirect.gather.add.f32 [hbm:s3], $0x80, s30, s10, $0xb8;
	[tilespmem:$0x11900] =	vst v63  }
0x59: {  	_ =	swait.ge [sflag:s13], $0x8000  }
0x5a: {  	[sflag:s13] =	ssyncset.done $0x0  }
0x5b: {  	[sflag:s13] =	ssyncadd.s32 $0xFFFF8000  }
0x5c: {  	[tilespmem:s11], [sflag:$0x1] =	stream.indirect.gather.add.f32 [hbm:s3], $0x80, s31, s10, $0xb8;
	[tilespmem:$0x11900] =	vst v63  }
0x5d: {  	_ =	swait.ge [sflag:s15], $0x8000  }
0x5e: {  	[sflag:s15] =	ssyncset.done $0x0  }
0x5f: {  	[sflag:s15] =	ssyncadd.s32 $0xFFFF8000  }
0x60: {  	[tilespmem:s12], [sflag:$0x2] =	stream.indirect.gather.add.f32 [hbm:s3], $0x80, s1, s10, $0xb8;
	[tilespmem:$0x11900] =	vst v63  }
0x61: {  	_ =	swait.ge [sflag:s13], $0x8000  }
0x62: {  	[sflag:s13] =	ssyncset.done $0x0  }
0x63: {  	[sflag:s13] =	ssyncadd.s32 $0xFFFF8000  }
0x64: {  	[tilespmem:s11], [sflag:$0x1] =	stream.indirect.gather.add.f32 [hbm:s3], $0x80, s0, s10, $0xb8;
	[tilespmem:$0x11900] =	vst v63  }
0x65: {  	_ =	swait.ge [sflag:s15], $0x8000  }
0x66: {  	[sflag:s15] =	ssyncset.done $0x0  }
0x67: {  	[sflag:s15] =	ssyncadd.s32 $0xFFFF8000  }
0x68: {  	[tilespmem:s12], [sflag:$0x2] =	stream.indirect.gather.add.f32 [hbm:s3], $0x80, s7, s10, $0xb8;
	[tilespmem:$0x11900] =	vst v63  }
0x69: {  	_ =	swait.ge [sflag:s13], $0x8000  }
0x6a: {  	[sflag:s13] =	ssyncset.done $0x0  }
0x6b: {  	[sflag:s13] =	ssyncadd.s32 $0xFFFF8000  }
0x6c: {  	[tilespmem:s11], [sflag:$0x1] =	stream.indirect.gather.add.f32 [hbm:s3], $0x80, s14, s10, $0xb8;
	[tilespmem:$0x11900] =	vst v63  }
0x6d: {  	_ =	swait.ge [sflag:s15], $0x8000  }
0x6e: {  	[sflag:s15] =	ssyncset.done $0x0  }
0x6f: {  	[sflag:s15] =	ssyncadd.s32 $0xFFFF8000  }
0x70: {  	[tilespmem:s12], [sflag:$0x2] =	stream.indirect.gather.add.f32 [hbm:s3], $0x80, s16, s10, $0xb8;
	[tilespmem:$0x11900] =	vst v63  }
0x71: {  	_ =	swait.ge [sflag:s13], $0x8000  }
0x72: {  	[sflag:s13] =	ssyncset.done $0x0  }
0x73: {  	[sflag:s13] =	ssyncadd.s32 $0xFFFF8000  }
0x74: {  	[tilespmem:s11], [sflag:$0x1] =	stream.indirect.gather.add.f32 [hbm:s3], $0x80, s17, s10, $0xb8;
	[tilespmem:$0x11900] =	vst v63  }
0x75: {  	_ =	swait.ge [sflag:s13], $0x8000  }
0x76: {  	[sflag:s13] =	ssyncset.done $0x0  }
0x77: {  	[sflag:s13] =	ssyncadd.s32 $0xFFFF8000  }
0x78: {  	_ =	swait.ge [sflag:s15], $0x8000  }
0x79: {  	s23 =	sand.u32 $0x30, s2;
	s20 =	sand.u32 $0x3F80, s2;
	[sflag:s15] =	ssyncset.done $0x0  }
0x7a: {  	s19 =	sor.u32 s23, s20;
	[sflag:s15] =	ssyncadd.s32 $0xFFFF8000  }
0x7b: {  	v0 =	vld [tilespmem:s19+$0x5900]  }
0x7c: {  	v1 =	vld [tilespmem:s19+$0x1900];
	_ =	sdelay $0x1  }
0x7d: {  	v2 =	vld [tilespmem:s19+$0x9900];
	_ =	sdelay $0x1  }
0x7e: {  	v3 =	vld [tilespmem:s19+$0xD900]  }
0x7f: {  	v0 =	vadd.f32 v0, v1;
	_ =	sdelay $0x1  }
0x80: {  	v0 =	vadd.f32 v2, v0  }
0x81: {  	s20 =	simm.s32 $0x10;
	s21 =	simm.s32 $0x20  }
0x82: {  	s21 =	sand.u32 $0x3F80, s21;
	s22 =	sand.u32 $0x30, s20;
	v0 =	vadd.f32 v3, v0  }
0x83: {  	s22 =	sor.u32 s22, s21;
	s21 =	simm.s32 $0x40  }
.LBB2_2:
0x84: {  	p0 =	sne.s32 s21, $0x3FE0;
	v1 =	vld [tilespmem:s22+$0x5900];
	[tilespmem:s19+$0x1900] =	vst v0;
	s19 =	smov.u32 s22  }
0x85: {  	v0 =	vld [tilespmem:s19+$0x1900];
	_ =	sdelay $0x1  }
0x86: {  	v2 =	vld [tilespmem:s19+$0x9900];
	_ =	sdelay $0x1  }
0x87: {  	v3 =	vld [tilespmem:s19+$0xD900]  }
0x88: {  	v0 =	vadd.f32 v1, v0  }
.Ltmp0:
0x89: {  	(pc) =	sbr.rel @p0 .LBB2_2-.Ltmp0, $4  }
0x8a: {  	v0 =	vadd.f32 v2, v0  }
0x8b: {  	s20 =	sadd.s32 $0x10, s20  }
0x8c: {  	s23 =	sand.u32 $0x3F80, s21;
	s22 =	sand.u32 $0x30, s20;
	v0 =	vadd.f32 v3, v0  }
0x8d: {  	s21 =	sadd.s32 $0x20, s21;
	s22 =	sor.u32 s22, s23  }
0x8e: {  	v1 =	vld [tilespmem:s22+$0x5900];
	[tilespmem:s19+$0x1900] =	vst v0  }
0x8f: {  	v0 =	vld [tilespmem:s22+$0x1900];
	_ =	sdelay $0x1  }
0x90: {  	v2 =	vld [tilespmem:s22+$0x9900];
	_ =	sdelay $0x1  }
0x91: {  	v3 =	vld [tilespmem:s22+$0xD900]  }
0x92: {  	v0 =	vadd.f32 v1, v0;
	_ =	sdelay $0x1  }
0x93: {  	v0 =	vadd.f32 v2, v0;
	_ =	sdelay $0x1  }
0x94: {  	s18 =	sadd.s32 $0x1, s18;
	v0 =	vadd.f32 v3, v0  }
0x95: {  	p0 =	sne.s32 s18, s6  }
.Ltmp1:
0x96: {  	[tilespmem:s22+$0x1900] =	vst v0;
	(pc) =	sbr.rel @p0 .LBB2_1-.Ltmp1, $4  }
0x97: {  	[hbm4b:s5+s2] =	stream.linear.scatter [tilespmem:s11], [sflag:$0x3], $0x4000, $0x38;
	[tilespmem:$0x11900] =	vst v63  }
0x98: {  	_ =	swait.ge [sflag:s9], $0x4000  }
0x99: {  	[sflag:s9] =	ssyncset.done $0x0  }
0x9a: {  	[sflag:s9] =	ssyncadd.s32 $0xFFFFC000  }
0x9b: {  	_ =	sfence.sel $0x180000  }
0x9c: {  	[bflag:$0x0] =	sbarrier.arrive $0xFFFF  }
0x9d: {  	_ =	strace $0x90000047  }
0x9e: {  	s0 =	stileid.u32;
	[bflag:$0x2] =	sbarrier.arrive $0xFFFF  }
0x9f: {  	p0 =	sne.s32 s0, $0x0;
	s0 =	rddreg [dreg:$0x2]  }
0xa0: {  	s0 =	sadd.s32 @!p0 $0x100000, s0  }
0xa1: {  	[sflag:s0] =	ssyncadd.tile.s32 @!p0 $0x1;
	_ =	shalt  }
.Lfunc_end2:
_tile_overlayer_lowered:
.L_overlay_start_2:
0xa2: {  	(tag) =	ssettag $0x2  }
0xa3: {  	s0 =	rddreg [dreg:$0x0];
	s2 =	stileid.u32  }
0xa4: {  	s1 =	rddreg [dreg:$0x1];
	p0 =	sne.s32 s2, $0x0  }
0xa5: {  	s3 =	rddreg [dreg:$0x2];
	[bflag:$0x3] =	sbarrier.arrive $0xFFFF;
	s2 =	simm.s32 @!p0 $0x1C03  }
0xa6: {  	[timem:s3], [sflag:s2] =	dma.local @!p0 [hbm:s0], s1  }
0xa7: {  	s0 =	simm.s32 @!p0 $0x3  }
0xa8: {  	_ =	swait.ge @!p0 [sflag:s0], s1  }
0xa9: {  	s1 =	ssub.s32 @!p0 $0x0, s1;
	[sflag:s0] =	ssyncset.done @!p0 $0x0  }
0xaa: {  	[sflag:s0] =	ssyncadd.s32 @!p0 s1  }
0xab: {  	[bflag:$0x3] =	sbarrier.arrive $0xFFFF  }
0xac: {  	_ =	shalt  }

</sc_bundles>
